<compile_context>
chip_gen: v7x
topology: tpu7x:2x2x1
jax: 0.10.2.dev20260603
libtpu: 0.0.44.dev20260713+nightly
codegen_flags: <defaults>
</compile_context>

<pallas_src>
import functools

import jax
import jax.numpy as jnp
from jax import lax
from jax.experimental import pallas as pl
from jax.experimental.pallas import tpu as pltpu
from jax.experimental.pallas import tpu_sc as plsc

N_EMB = 1000000
EMB_DIM = 32
SCALE = 10.0
LANES = 16

NUM_CORES = 2
NUM_SUBCORES = 16
NW = NUM_CORES * NUM_SUBCORES

XROWS = 16384
XCOLS = 100
IPW = XROWS // NW
NGRP = IPW // LANES

_mesh = plsc.VectorSubcoreMesh(core_axis_name="c", subcore_axis_name="s")


@functools.partial(
    pl.kernel,
    mesh=_mesh,
    out_type=jax.ShapeDtypeStruct((XCOLS, EMB_DIM, XROWS), jnp.float32),
    scratch_types=[
        pltpu.VMEM((IPW,), jnp.int32),
        pltpu.VMEM((IPW,), jnp.int32),
        pltpu.VMEM((IPW, EMB_DIM), jnp.float32),
        pltpu.VMEM((IPW, EMB_DIM), jnp.float32),
        pltpu.VMEM((EMB_DIM, IPW + 1), jnp.float32),
        pltpu.VMEM((EMB_DIM, IPW + 1), jnp.float32),
        pltpu.SemaphoreType.DMA,
        pltpu.SemaphoreType.DMA,
        pltpu.SemaphoreType.DMA,
        pltpu.SemaphoreType.DMA,
    ],
    compiler_params=pltpu.CompilerParams(
        use_tc_tiling_on_sc=False, needs_layout_passes=False
    ),
)
def _scaled_gather(xt_hbm, tab_hbm, out_hbm, idx0, idx1, g0, g1, o0, o1,
                   sg0, sg1, so0, so1):
    wid = lax.axis_index("s") * NUM_CORES + lax.axis_index("c")
    i0 = wid * IPW
    iota = lax.iota(jnp.int32, LANES)
    idx = (idx0, idx1)
    gv = (g0, g1)
    ov = (o0, o1)
    sg = (sg0, sg1)
    so = (so0, so1)

    def stage(j, b):
        pltpu.sync_copy(xt_hbm.at[j, pl.ds(i0, IPW)], idx[b])
        pltpu.async_copy(tab_hbm.at[idx[b]], gv[b], sg[b])

    def transpose(b):
        @plsc.parallel_loop(0, IPW, unroll=16)
        def row_body(r):
            col = jnp.broadcast_to(r, (LANES,)).astype(jnp.int32)
            for half in range(EMB_DIM // LANES):
                vals = gv[b][r, pl.ds(half * LANES, LANES)] * SCALE
                plsc.store_scatter(ov[b], [iota + half * LANES, col], vals)

    def out_slice(j):
        return out_hbm.at[j, :, pl.ds(i0, IPW)]

    stage(0, 0)

    def pair_body(gp, carry):
        for b in range(2):
            j = 2 * gp + b
            nb = 1 - b

            @pl.when(j + 1 < XCOLS)
            def _():
                stage(j + 1, nb)

            pltpu.make_async_copy(tab_hbm.at[idx[b]], gv[b], sg[b]).wait()

            @pl.when(j >= 2)
            def _():
                pltpu.make_async_copy(
                    ov[b].at[:, pl.ds(0, IPW)], out_slice(j), so[b]
                ).wait()

            transpose(b)
            pltpu.async_copy(ov[b].at[:, pl.ds(0, IPW)], out_slice(j), so[b])
        return carry

    lax.fori_loop(0, XCOLS // 2, pair_body, 0)
    for b in range(2):
        pltpu.make_async_copy(
            ov[b].at[:, pl.ds(0, IPW)], out_slice(XCOLS - 2 + b), so[b]
        ).wait()


def kernel(x, table):
    out = _scaled_gather(x.T, table)
    return out.transpose(2, 0, 1)

# --- scband reference (transcript-rebuilt; emitter-appended) ---
"""Pipeline reference for scband-scaled-embedding-3023656976976 (READ-ONLY COPY).

The authoritative reference and input builder live on the scoring server;
editing this copy changes nothing except your own understanding.
"""

import jax, jax.numpy as jnp
import numpy as np

N_EMB = 1000000
EMB_DIM = 32
SCALE = 10.0

def setup_inputs(seed: int = 0) -> dict:
    key = jax.random.key(seed)
    k_idx, k_tab = jax.random.split(key)
    x = jax.random.randint(k_idx, (16384, 100), 0, N_EMB, dtype=jnp.int64 if jax.config.jax_enable_x64 else jnp.int32)
    table = jax.random.normal(k_tab, (N_EMB, EMB_DIM), dtype=jnp.float32)
    return {"x": x, "table": table}

def reference(x, table):
    # ScaledEmbedding: embedding lookup followed by scalar scale
    emb = jnp.take(table, x, axis=0)
    return emb * SCALE

if __name__ == "__main__":
    import jax
    _d = setup_inputs()
    print(jax.jit(kernel)(*tuple(_d.values())))

</pallas_src>

<mosaic_0001>
#map = affine_map<(d0, d1) -> (0, 0)>
#map1 = affine_map<(d0, d1) -> (0, 0, 0)>
module attributes {stable_mosaic.version = 14 : i64} {
  func.func @_scaled_gather(%arg0: i32, %arg1: i32, %arg2: memref<100x16384xi32, #tpu.memory_space<hbm>>, %arg3: memref<1000000x32xf32, #tpu.memory_space<hbm>>, %arg4: memref<100x32x16384xf32, #tpu.memory_space<hbm>>, %arg5: memref<512xi32, #tpu.memory_space<vmem>>, %arg6: memref<512xi32, #tpu.memory_space<vmem>>, %arg7: memref<512x32xf32, #tpu.memory_space<vmem>>, %arg8: memref<512x32xf32, #tpu.memory_space<vmem>>, %arg9: memref<32x513xf32, #tpu.memory_space<vmem>>, %arg10: memref<32x513xf32, #tpu.memory_space<vmem>>, %arg11: memref<!tpu.dma_semaphore, #tpu.memory_space<semaphore_mem>>, %arg12: memref<!tpu.dma_semaphore, #tpu.memory_space<semaphore_mem>>, %arg13: memref<!tpu.dma_semaphore, #tpu.memory_space<semaphore_mem>>, %arg14: memref<!tpu.dma_semaphore, #tpu.memory_space<semaphore_mem>>) attributes {dimension_semantics = [#tpu.dimension_semantics<core_parallel>, #tpu.dimension_semantics<subcore_parallel>], iteration_bounds = array<i64: 2, 16>, scalar_prefetch = 0 : i64, scratch_operands = 10 : i64, tpu.core_type = #tpu.core_type<sc_vector_subcore>, window_params = [{transform_indices = #map}, {transform_indices = #map}, {transform_indices = #map1}]} {
    %mul3A = arith.constant 2 : i32
    %mul3A_0 = arith.muli %arg1, %mul3A : i32
    %add3A = arith.addi %mul3A_0, %arg0 : i32
    %mul3A_1 = arith.constant 512 : i32
    %mul3A_2 = arith.muli %add3A, %mul3A_1 : i32
    %iota3A = tpu.iota {dimensions = array<i32: 0>} : vector<16xi32>
    %run_scoped3A = arith.constant 0 : i32
    "tpu.region"() ({
      %run_scoped3A_35 = tpu.sem_alloc : memref<!tpu.dma_semaphore, #tpu.memory_space<semaphore_mem>>
      %dma_start3A_36 = tpu.memref_slice %arg2[%run_scoped3A, %mul3A_2] : memref<100x16384xi32, #tpu.memory_space<hbm>> -> memref<1x512xi32, #tpu.memory_space<hbm>>
      %dma_start3A_37 = tpu.memref_squeeze %dma_start3A_36 : memref<1x512xi32, #tpu.memory_space<hbm>> -> memref<512xi32, #tpu.memory_space<hbm>>
      %dma_start3A_38 = tpu.memref_slice %arg2[%run_scoped3A, %mul3A_2] : memref<100x16384xi32, #tpu.memory_space<hbm>> -> memref<1x512xi32, #tpu.memory_space<hbm>>
      %dma_start3A_39 = tpu.memref_squeeze %dma_start3A_38 : memref<1x512xi32, #tpu.memory_space<hbm>> -> memref<512xi32, #tpu.memory_space<hbm>>
      tpu.enqueue_dma source(%dma_start3A_39 : memref<512xi32, #tpu.memory_space<hbm>>) target(%arg5 : memref<512xi32, #tpu.memory_space<vmem>>) target_semaphore(%run_scoped3A_35 : memref<!tpu.dma_semaphore, #tpu.memory_space<semaphore_mem>>)
      %dma_wait3A_40 = tpu.memref_slice %arg2[%run_scoped3A, %mul3A_2] : memref<100x16384xi32, #tpu.memory_space<hbm>> -> memref<1x512xi32, #tpu.memory_space<hbm>>
      %dma_wait3A_41 = tpu.memref_squeeze %dma_wait3A_40 : memref<1x512xi32, #tpu.memory_space<hbm>> -> memref<512xi32, #tpu.memory_space<hbm>>
      %dma_wait3A_42 = tpu.memref_slice %arg2[%run_scoped3A, %mul3A_2] : memref<100x16384xi32, #tpu.memory_space<hbm>> -> memref<1x512xi32, #tpu.memory_space<hbm>>
      %dma_wait3A_43 = tpu.memref_squeeze %dma_wait3A_42 : memref<1x512xi32, #tpu.memory_space<hbm>> -> memref<512xi32, #tpu.memory_space<hbm>>
      tpu.wait_dma2 semaphore(%run_scoped3A_35 : memref<!tpu.dma_semaphore, #tpu.memory_space<semaphore_mem>>) src(%dma_wait3A_43 : memref<512xi32, #tpu.memory_space<hbm>>) dst(%arg5 : memref<512xi32, #tpu.memory_space<vmem>>)
      tpu.yield
    }) : () -> ()
    %dma_start3A = arith.constant 0 : i32
    %dma_start3A_3 = arith.constant 0 : i32
    %dma_start3A_4 = tpu.memref_slice %arg3[%dma_start3A, %dma_start3A_3] : memref<1000000x32xf32, #tpu.memory_space<hbm>> -> memref<1000000x32xf32, #tpu.memory_space<hbm>>
    tpu.enqueue_indirect_dma source(%dma_start3A_4 : memref<1000000x32xf32, #tpu.memory_space<hbm>>) target(%arg7 : memref<512x32xf32, #tpu.memory_space<vmem>>) offsets(%arg5 : memref<512xi32, #tpu.memory_space<vmem>>) semaphore(%arg11 : memref<!tpu.dma_semaphore, #tpu.memory_space<semaphore_mem>>)
    %scan3A = arith.constant 0 : i32
    %scan3A_5 = arith.constant 0 : i32
    %scan3A_6 = arith.constant 50 : i32
    %scan3A_7 = arith.addi %scan3A_5, %scan3A_6 : i32
    %scan3A_8 = arith.constant 1 : i32
    scf.for %scan3A_35 = %scan3A_5 to %scan3A_7 step %scan3A_8  : i32 {
      %mul3A_36 = arith.constant 2 : i32
      %mul3A_37 = arith.muli %mul3A_36, %scan3A_35 : i32
      %add3A_38 = arith.constant 0 : i32
      %add3A_39 = arith.addi %mul3A_37, %add3A_38 : i32
      %add3A_40 = arith.constant 1 : i32
      %add3A_41 = arith.addi %add3A_39, %add3A_40 : i32
      %lt3A = arith.constant 100 : i32
      %lt3A_42 = arith.cmpi slt, %add3A_41, %lt3A : i32
      %convert_element_type3A = arith.extui %lt3A_42 : i1 to i32
      %cond3A = arith.constant 0 : i32
      %cond3A_43 = arith.cmpi ne, %convert_element_type3A, %cond3A : i32
      scf.if %cond3A_43 {
        %add3A_99 = arith.constant 1 : i32
        %add3A_100 = arith.addi %add3A_39, %add3A_99 : i32
        "tpu.region"() ({
          %run_scoped3A_104 = tpu.sem_alloc : memref<!tpu.dma_semaphore, #tpu.memory_space<semaphore_mem>>
          %dma_start3A_105 = tpu.memref_slice %arg2[%add3A_100, %mul3A_2] : memref<100x16384xi32, #tpu.memory_space<hbm>> -> memref<1x512xi32, #tpu.memory_space<hbm>>
          %dma_start3A_106 = tpu.memref_squeeze %dma_start3A_105 : memref<1x512xi32, #tpu.memory_space<hbm>> -> memref<512xi32, #tpu.memory_space<hbm>>
          %dma_start3A_107 = tpu.memref_slice %arg2[%add3A_100, %mul3A_2] : memref<100x16384xi32, #tpu.memory_space<hbm>> -> memref<1x512xi32, #tpu.memory_space<hbm>>
          %dma_start3A_108 = tpu.memref_squeeze %dma_start3A_107 : memref<1x512xi32, #tpu.memory_space<hbm>> -> memref<512xi32, #tpu.memory_space<hbm>>
          tpu.enqueue_dma source(%dma_start3A_108 : memref<512xi32, #tpu.memory_space<hbm>>) target(%arg6 : memref<512xi32, #tpu.memory_space<vmem>>) target_semaphore(%run_scoped3A_104 : memref<!tpu.dma_semaphore, #tpu.memory_space<semaphore_mem>>)
          %dma_wait3A_109 = tpu.memref_slice %arg2[%add3A_100, %mul3A_2] : memref<100x16384xi32, #tpu.memory_space<hbm>> -> memref<1x512xi32, #tpu.memory_space<hbm>>
          %dma_wait3A_110 = tpu.memref_squeeze %dma_wait3A_109 : memref<1x512xi32, #tpu.memory_space<hbm>> -> memref<512xi32, #tpu.memory_space<hbm>>
          %dma_wait3A_111 = tpu.memref_slice %arg2[%add3A_100, %mul3A_2] : memref<100x16384xi32, #tpu.memory_space<hbm>> -> memref<1x512xi32, #tpu.memory_space<hbm>>
          %dma_wait3A_112 = tpu.memref_squeeze %dma_wait3A_111 : memref<1x512xi32, #tpu.memory_space<hbm>> -> memref<512xi32, #tpu.memory_space<hbm>>
          tpu.wait_dma2 semaphore(%run_scoped3A_104 : memref<!tpu.dma_semaphore, #tpu.memory_space<semaphore_mem>>) src(%dma_wait3A_112 : memref<512xi32, #tpu.memory_space<hbm>>) dst(%arg6 : memref<512xi32, #tpu.memory_space<vmem>>)
          tpu.yield
        }) : () -> ()
        %dma_start3A_101 = arith.constant 0 : i32
        %dma_start3A_102 = arith.constant 0 : i32
        %dma_start3A_103 = tpu.memref_slice %arg3[%dma_start3A_101, %dma_start3A_102] : memref<1000000x32xf32, #tpu.memory_space<hbm>> -> memref<1000000x32xf32, #tpu.memory_space<hbm>>
        tpu.enqueue_indirect_dma source(%dma_start3A_103 : memref<1000000x32xf32, #tpu.memory_space<hbm>>) target(%arg8 : memref<512x32xf32, #tpu.memory_space<vmem>>) offsets(%arg6 : memref<512xi32, #tpu.memory_space<vmem>>) semaphore(%arg12 : memref<!tpu.dma_semaphore, #tpu.memory_space<semaphore_mem>>)
      } else {
      }
      %dma_wait3A_44 = arith.constant 0 : i32
      %dma_wait3A_45 = arith.constant 0 : i32
      %dma_wait3A_46 = tpu.memref_slice %arg3[%dma_wait3A_44, %dma_wait3A_45] : memref<1000000x32xf32, #tpu.memory_space<hbm>> -> memref<1000000x32xf32, #tpu.memory_space<hbm>>
      tpu.wait_indirect_dma semaphore(%arg11 : memref<!tpu.dma_semaphore, #tpu.memory_space<semaphore_mem>>) src(%dma_wait3A_46 : memref<1000000x32xf32, #tpu.memory_space<hbm>>) dst(%arg7 : memref<512x32xf32, #tpu.memory_space<vmem>>)
      %ge3A = arith.constant 2 : i32
      %ge3A_47 = arith.cmpi sge, %add3A_39, %ge3A : i32
      %convert_element_type3A_48 = arith.extui %ge3A_47 : i1 to i32
      %cond3A_49 = arith.constant 0 : i32
      %cond3A_50 = arith.cmpi ne, %convert_element_type3A_48, %cond3A_49 : i32
      scf.if %cond3A_50 {
        %dma_wait3A_99 = arith.constant 0 : i32
        %dma_wait3A_100 = arith.constant 0 : i32
        %dma_wait3A_101 = tpu.memref_slice %arg9[%dma_wait3A_99, %dma_wait3A_100] : memref<32x513xf32, #tpu.memory_space<vmem>> -> memref<32x512xf32, #tpu.memory_space<vmem>>
        %dma_wait3A_102 = arith.constant 0 : i32
        %dma_wait3A_103 = tpu.memref_slice %arg4[%add3A_39, %dma_wait3A_102, %mul3A_2] : memref<100x32x16384xf32, #tpu.memory_space<hbm>> -> memref<1x32x512xf32, #tpu.memory_space<hbm>>
        %dma_wait3A_104 = tpu.memref_squeeze %dma_wait3A_103 : memref<1x32x512xf32, #tpu.memory_space<hbm>> -> memref<32x512xf32, #tpu.memory_space<hbm>>
        %dma_wait3A_105 = arith.constant 0 : i32
        %dma_wait3A_106 = tpu.memref_slice %arg4[%add3A_39, %dma_wait3A_105, %mul3A_2] : memref<100x32x16384xf32, #tpu.memory_space<hbm>> -> memref<1x32x512xf32, #tpu.memory_space<hbm>>
        %dma_wait3A_107 = tpu.memref_squeeze %dma_wait3A_106 : memref<1x32x512xf32, #tpu.memory_space<hbm>> -> memref<32x512xf32, #tpu.memory_space<hbm>>
        %dma_wait3A_108 = arith.constant 0 : i32
        %dma_wait3A_109 = arith.constant 0 : i32
        %dma_wait3A_110 = tpu.memref_slice %arg9[%dma_wait3A_108, %dma_wait3A_109] : memref<32x513xf32, #tpu.memory_space<vmem>> -> memref<32x512xf32, #tpu.memory_space<vmem>>
        tpu.wait_dma2 semaphore(%arg13 : memref<!tpu.dma_semaphore, #tpu.memory_space<semaphore_mem>>) src(%dma_wait3A_110 : memref<32x512xf32, #tpu.memory_space<vmem>>) dst(%dma_wait3A_107 : memref<32x512xf32, #tpu.memory_space<hbm>>)
      } else {
      }
      %parallel_loop3A = arith.constant 0 : i32
      %parallel_loop3A_51 = arith.constant 512 : i32
      %parallel_loop3A_52 = arith.constant 1 : i32
      scf.for %parallel_loop3A_99 = %parallel_loop3A to %parallel_loop3A_51 step %parallel_loop3A_52  : i32 {
        %parallel_loop3A_100 = vector.broadcast %parallel_loop3A_99 : i32 to vector<16xi32>
        %parallel_loop3A_101 = arith.index_cast %parallel_loop3A_99 : i32 to index
        %parallel_loop3A_102 = arith.constant 0 : index
        %parallel_loop3A_103 = tpu.vector_load %arg7[%parallel_loop3A_101, %parallel_loop3A_102] {strides = array<i32>} : memref<512x32xf32, #tpu.memory_space<vmem>>, vector<16xf32>,
        %parallel_loop3A_104 = arith.constant 1.000000e+01 : f32
        %parallel_loop3A_105 = vector.broadcast %parallel_loop3A_104 : f32 to vector<16xf32>
        %parallel_loop3A_106 = arith.mulf %parallel_loop3A_103, %parallel_loop3A_105 : vector<16xf32>
        %parallel_loop3A_107 = arith.constant 0 : i32
        %parallel_loop3A_108 = vector.broadcast %parallel_loop3A_107 : i32 to vector<16xi32>
        %parallel_loop3A_109 = arith.addi %iota3A, %parallel_loop3A_108 : vector<16xi32>
        tpu.vector_store_idx %arg9[%parallel_loop3A_109, %parallel_loop3A_100], %parallel_loop3A_106 : memref<32x513xf32, #tpu.memory_space<vmem>>[vector<16xi32>, vector<16xi32>], vector<16xf32>,
        %parallel_loop3A_110 = arith.index_cast %parallel_loop3A_99 : i32 to index
        %parallel_loop3A_111 = arith.constant 16 : index
        %parallel_loop3A_112 = tpu.vector_load %arg7[%parallel_loop3A_110, %parallel_loop3A_111] {strides = array<i32>} : memref<512x32xf32, #tpu.memory_space<vmem>>, vector<16xf32>,
        %parallel_loop3A_113 = arith.constant 1.000000e+01 : f32
        %parallel_loop3A_114 = vector.broadcast %parallel_loop3A_113 : f32 to vector<16xf32>
        %parallel_loop3A_115 = arith.mulf %parallel_loop3A_112, %parallel_loop3A_114 : vector<16xf32>
        %parallel_loop3A_116 = arith.constant 16 : i32
        %parallel_loop3A_117 = vector.broadcast %parallel_loop3A_116 : i32 to vector<16xi32>
        %parallel_loop3A_118 = arith.addi %iota3A, %parallel_loop3A_117 : vector<16xi32>
        tpu.vector_store_idx %arg9[%parallel_loop3A_118, %parallel_loop3A_100], %parallel_loop3A_115 : memref<32x513xf32, #tpu.memory_space<vmem>>[vector<16xi32>, vector<16xi32>], vector<16xf32>,
      } {sc.loop_unroll_factor = 16 : i64, sc.parallel_access}
      %dma_start3A_53 = arith.constant 0 : i32
      %dma_start3A_54 = arith.constant 0 : i32
      %dma_start3A_55 = tpu.memref_slice %arg9[%dma_start3A_53, %dma_start3A_54] : memref<32x513xf32, #tpu.memory_space<vmem>> -> memref<32x512xf32, #tpu.memory_space<vmem>>
      %dma_start3A_56 = arith.constant 0 : i32
      %dma_start3A_57 = tpu.memref_slice %arg4[%add3A_39, %dma_start3A_56, %mul3A_2] : memref<100x32x16384xf32, #tpu.memory_space<hbm>> -> memref<1x32x512xf32, #tpu.memory_space<hbm>>
      %dma_start3A_58 = tpu.memref_squeeze %dma_start3A_57 : memref<1x32x512xf32, #tpu.memory_space<hbm>> -> memref<32x512xf32, #tpu.memory_space<hbm>>
      %dma_start3A_59 = arith.constant 0 : i32
      %dma_start3A_60 = tpu.memref_slice %arg4[%add3A_39, %dma_start3A_59, %mul3A_2] : memref<100x32x16384xf32, #tpu.memory_space<hbm>> -> memref<1x32x512xf32, #tpu.memory_space<hbm>>
      %dma_start3A_61 = tpu.memref_squeeze %dma_start3A_60 : memref<1x32x512xf32, #tpu.memory_space<hbm>> -> memref<32x512xf32, #tpu.memory_space<hbm>>
      %dma_start3A_62 = arith.constant 0 : i32
      %dma_start3A_63 = arith.constant 0 : i32
      %dma_start3A_64 = tpu.memref_slice %arg9[%dma_start3A_62, %dma_start3A_63] : memref<32x513xf32, #tpu.memory_space<vmem>> -> memref<32x512xf32, #tpu.memory_space<vmem>>
      tpu.enqueue_dma source(%dma_start3A_64 : memref<32x512xf32, #tpu.memory_space<vmem>>) target(%dma_start3A_61 : memref<32x512xf32, #tpu.memory_space<hbm>>) target_semaphore(%arg13 : memref<!tpu.dma_semaphore, #tpu.memory_space<semaphore_mem>>)
      %mul3A_65 = arith.constant 2 : i32
      %mul3A_66 = arith.muli %mul3A_65, %scan3A_35 : i32
      %add3A_67 = arith.constant 1 : i32
      %add3A_68 = arith.addi %mul3A_66, %add3A_67 : i32
      %add3A_69 = arith.constant 1 : i32
      %add3A_70 = arith.addi %add3A_68, %add3A_69 : i32
      %lt3A_71 = arith.constant 100 : i32
      %lt3A_72 = arith.cmpi slt, %add3A_70, %lt3A_71 : i32
      %convert_element_type3A_73 = arith.extui %lt3A_72 : i1 to i32
      %cond3A_74 = arith.constant 0 : i32
      %cond3A_75 = arith.cmpi ne, %convert_element_type3A_73, %cond3A_74 : i32
      scf.if %cond3A_75 {
        %add3A_99 = arith.constant 1 : i32
        %add3A_100 = arith.addi %add3A_68, %add3A_99 : i32
        "tpu.region"() ({
          %run_scoped3A_104 = tpu.sem_alloc : memref<!tpu.dma_semaphore, #tpu.memory_space<semaphore_mem>>
          %dma_start3A_105 = tpu.memref_slice %arg2[%add3A_100, %mul3A_2] : memref<100x16384xi32, #tpu.memory_space<hbm>> -> memref<1x512xi32, #tpu.memory_space<hbm>>
          %dma_start3A_106 = tpu.memref_squeeze %dma_start3A_105 : memref<1x512xi32, #tpu.memory_space<hbm>> -> memref<512xi32, #tpu.memory_space<hbm>>
          %dma_start3A_107 = tpu.memref_slice %arg2[%add3A_100, %mul3A_2] : memref<100x16384xi32, #tpu.memory_space<hbm>> -> memref<1x512xi32, #tpu.memory_space<hbm>>
          %dma_start3A_108 = tpu.memref_squeeze %dma_start3A_107 : memref<1x512xi32, #tpu.memory_space<hbm>> -> memref<512xi32, #tpu.memory_space<hbm>>
          tpu.enqueue_dma source(%dma_start3A_108 : memref<512xi32, #tpu.memory_space<hbm>>) target(%arg5 : memref<512xi32, #tpu.memory_space<vmem>>) target_semaphore(%run_scoped3A_104 : memref<!tpu.dma_semaphore, #tpu.memory_space<semaphore_mem>>)
          %dma_wait3A_109 = tpu.memref_slice %arg2[%add3A_100, %mul3A_2] : memref<100x16384xi32, #tpu.memory_space<hbm>> -> memref<1x512xi32, #tpu.memory_space<hbm>>
          %dma_wait3A_110 = tpu.memref_squeeze %dma_wait3A_109 : memref<1x512xi32, #tpu.memory_space<hbm>> -> memref<512xi32, #tpu.memory_space<hbm>>
          %dma_wait3A_111 = tpu.memref_slice %arg2[%add3A_100, %mul3A_2] : memref<100x16384xi32, #tpu.memory_space<hbm>> -> memref<1x512xi32, #tpu.memory_space<hbm>>
          %dma_wait3A_112 = tpu.memref_squeeze %dma_wait3A_111 : memref<1x512xi32, #tpu.memory_space<hbm>> -> memref<512xi32, #tpu.memory_space<hbm>>
          tpu.wait_dma2 semaphore(%run_scoped3A_104 : memref<!tpu.dma_semaphore, #tpu.memory_space<semaphore_mem>>) src(%dma_wait3A_112 : memref<512xi32, #tpu.memory_space<hbm>>) dst(%arg5 : memref<512xi32, #tpu.memory_space<vmem>>)
          tpu.yield
        }) : () -> ()
        %dma_start3A_101 = arith.constant 0 : i32
        %dma_start3A_102 = arith.constant 0 : i32
        %dma_start3A_103 = tpu.memref_slice %arg3[%dma_start3A_101, %dma_start3A_102] : memref<1000000x32xf32, #tpu.memory_space<hbm>> -> memref<1000000x32xf32, #tpu.memory_space<hbm>>
        tpu.enqueue_indirect_dma source(%dma_start3A_103 : memref<1000000x32xf32, #tpu.memory_space<hbm>>) target(%arg7 : memref<512x32xf32, #tpu.memory_space<vmem>>) offsets(%arg5 : memref<512xi32, #tpu.memory_space<vmem>>) semaphore(%arg11 : memref<!tpu.dma_semaphore, #tpu.memory_space<semaphore_mem>>)
      } else {
      }
      %dma_wait3A_76 = arith.constant 0 : i32
      %dma_wait3A_77 = arith.constant 0 : i32
      %dma_wait3A_78 = tpu.memref_slice %arg3[%dma_wait3A_76, %dma_wait3A_77] : memref<1000000x32xf32, #tpu.memory_space<hbm>> -> memref<1000000x32xf32, #tpu.memory_space<hbm>>
      tpu.wait_indirect_dma semaphore(%arg12 : memref<!tpu.dma_semaphore, #tpu.memory_space<semaphore_mem>>) src(%dma_wait3A_78 : memref<1000000x32xf32, #tpu.memory_space<hbm>>) dst(%arg8 : memref<512x32xf32, #tpu.memory_space<vmem>>)
      %ge3A_79 = arith.constant 2 : i32
      %ge3A_80 = arith.cmpi sge, %add3A_68, %ge3A_79 : i32
      %convert_element_type3A_81 = arith.extui %ge3A_80 : i1 to i32
      %cond3A_82 = arith.constant 0 : i32
      %cond3A_83 = arith.cmpi ne, %convert_element_type3A_81, %cond3A_82 : i32
      scf.if %cond3A_83 {
        %dma_wait3A_99 = arith.constant 0 : i32
        %dma_wait3A_100 = arith.constant 0 : i32
        %dma_wait3A_101 = tpu.memref_slice %arg10[%dma_wait3A_99, %dma_wait3A_100] : memref<32x513xf32, #tpu.memory_space<vmem>> -> memref<32x512xf32, #tpu.memory_space<vmem>>
        %dma_wait3A_102 = arith.constant 0 : i32
        %dma_wait3A_103 = tpu.memref_slice %arg4[%add3A_68, %dma_wait3A_102, %mul3A_2] : memref<100x32x16384xf32, #tpu.memory_space<hbm>> -> memref<1x32x512xf32, #tpu.memory_space<hbm>>
        %dma_wait3A_104 = tpu.memref_squeeze %dma_wait3A_103 : memref<1x32x512xf32, #tpu.memory_space<hbm>> -> memref<32x512xf32, #tpu.memory_space<hbm>>
        %dma_wait3A_105 = arith.constant 0 : i32
        %dma_wait3A_106 = tpu.memref_slice %arg4[%add3A_68, %dma_wait3A_105, %mul3A_2] : memref<100x32x16384xf32, #tpu.memory_space<hbm>> -> memref<1x32x512xf32, #tpu.memory_space<hbm>>
        %dma_wait3A_107 = tpu.memref_squeeze %dma_wait3A_106 : memref<1x32x512xf32, #tpu.memory_space<hbm>> -> memref<32x512xf32, #tpu.memory_space<hbm>>
        %dma_wait3A_108 = arith.constant 0 : i32
        %dma_wait3A_109 = arith.constant 0 : i32
        %dma_wait3A_110 = tpu.memref_slice %arg10[%dma_wait3A_108, %dma_wait3A_109] : memref<32x513xf32, #tpu.memory_space<vmem>> -> memref<32x512xf32, #tpu.memory_space<vmem>>
        tpu.wait_dma2 semaphore(%arg14 : memref<!tpu.dma_semaphore, #tpu.memory_space<semaphore_mem>>) src(%dma_wait3A_110 : memref<32x512xf32, #tpu.memory_space<vmem>>) dst(%dma_wait3A_107 : memref<32x512xf32, #tpu.memory_space<hbm>>)
      } else {
      }
      %parallel_loop3A_84 = arith.constant 0 : i32
      %parallel_loop3A_85 = arith.constant 512 : i32
      %parallel_loop3A_86 = arith.constant 1 : i32
      scf.for %parallel_loop3A_99 = %parallel_loop3A_84 to %parallel_loop3A_85 step %parallel_loop3A_86  : i32 {
        %parallel_loop3A_100 = vector.broadcast %parallel_loop3A_99 : i32 to vector<16xi32>
        %parallel_loop3A_101 = arith.index_cast %parallel_loop3A_99 : i32 to index
        %parallel_loop3A_102 = arith.constant 0 : index
        %parallel_loop3A_103 = tpu.vector_load %arg8[%parallel_loop3A_101, %parallel_loop3A_102] {strides = array<i32>} : memref<512x32xf32, #tpu.memory_space<vmem>>, vector<16xf32>,
        %parallel_loop3A_104 = arith.constant 1.000000e+01 : f32
        %parallel_loop3A_105 = vector.broadcast %parallel_loop3A_104 : f32 to vector<16xf32>
        %parallel_loop3A_106 = arith.mulf %parallel_loop3A_103, %parallel_loop3A_105 : vector<16xf32>
        %parallel_loop3A_107 = arith.constant 0 : i32
        %parallel_loop3A_108 = vector.broadcast %parallel_loop3A_107 : i32 to vector<16xi32>
        %parallel_loop3A_109 = arith.addi %iota3A, %parallel_loop3A_108 : vector<16xi32>
        tpu.vector_store_idx %arg10[%parallel_loop3A_109, %parallel_loop3A_100], %parallel_loop3A_106 : memref<32x513xf32, #tpu.memory_space<vmem>>[vector<16xi32>, vector<16xi32>], vector<16xf32>,
        %parallel_loop3A_110 = arith.index_cast %parallel_loop3A_99 : i32 to index
        %parallel_loop3A_111 = arith.constant 16 : index
        %parallel_loop3A_112 = tpu.vector_load %arg8[%parallel_loop3A_110, %parallel_loop3A_111] {strides = array<i32>} : memref<512x32xf32, #tpu.memory_space<vmem>>, vector<16xf32>,
        %parallel_loop3A_113 = arith.constant 1.000000e+01 : f32
        %parallel_loop3A_114 = vector.broadcast %parallel_loop3A_113 : f32 to vector<16xf32>
        %parallel_loop3A_115 = arith.mulf %parallel_loop3A_112, %parallel_loop3A_114 : vector<16xf32>
        %parallel_loop3A_116 = arith.constant 16 : i32
        %parallel_loop3A_117 = vector.broadcast %parallel_loop3A_116 : i32 to vector<16xi32>
        %parallel_loop3A_118 = arith.addi %iota3A, %parallel_loop3A_117 : vector<16xi32>
        tpu.vector_store_idx %arg10[%parallel_loop3A_118, %parallel_loop3A_100], %parallel_loop3A_115 : memref<32x513xf32, #tpu.memory_space<vmem>>[vector<16xi32>, vector<16xi32>], vector<16xf32>,
      } {sc.loop_unroll_factor = 16 : i64, sc.parallel_access}
      %dma_start3A_87 = arith.constant 0 : i32
      %dma_start3A_88 = arith.constant 0 : i32
      %dma_start3A_89 = tpu.memref_slice %arg10[%dma_start3A_87, %dma_start3A_88] : memref<32x513xf32, #tpu.memory_space<vmem>> -> memref<32x512xf32, #tpu.memory_space<vmem>>
      %dma_start3A_90 = arith.constant 0 : i32
      %dma_start3A_91 = tpu.memref_slice %arg4[%add3A_68, %dma_start3A_90, %mul3A_2] : memref<100x32x16384xf32, #tpu.memory_space<hbm>> -> memref<1x32x512xf32, #tpu.memory_space<hbm>>
      %dma_start3A_92 = tpu.memref_squeeze %dma_start3A_91 : memref<1x32x512xf32, #tpu.memory_space<hbm>> -> memref<32x512xf32, #tpu.memory_space<hbm>>
      %dma_start3A_93 = arith.constant 0 : i32
      %dma_start3A_94 = tpu.memref_slice %arg4[%add3A_68, %dma_start3A_93, %mul3A_2] : memref<100x32x16384xf32, #tpu.memory_space<hbm>> -> memref<1x32x512xf32, #tpu.memory_space<hbm>>
      %dma_start3A_95 = tpu.memref_squeeze %dma_start3A_94 : memref<1x32x512xf32, #tpu.memory_space<hbm>> -> memref<32x512xf32, #tpu.memory_space<hbm>>
      %dma_start3A_96 = arith.constant 0 : i32
      %dma_start3A_97 = arith.constant 0 : i32
      %dma_start3A_98 = tpu.memref_slice %arg10[%dma_start3A_96, %dma_start3A_97] : memref<32x513xf32, #tpu.memory_space<vmem>> -> memref<32x512xf32, #tpu.memory_space<vmem>>
      tpu.enqueue_dma source(%dma_start3A_98 : memref<32x512xf32, #tpu.memory_space<vmem>>) target(%dma_start3A_95 : memref<32x512xf32, #tpu.memory_space<hbm>>) target_semaphore(%arg14 : memref<!tpu.dma_semaphore, #tpu.memory_space<semaphore_mem>>)
    }
    %scan3A_9 = arith.constant 50 : i32
    %dma_wait3A = arith.constant 98 : i32
    %dma_wait3A_10 = arith.constant 0 : i32
    %dma_wait3A_11 = arith.constant 0 : i32
    %dma_wait3A_12 = tpu.memref_slice %arg9[%dma_wait3A_10, %dma_wait3A_11] : memref<32x513xf32, #tpu.memory_space<vmem>> -> memref<32x512xf32, #tpu.memory_space<vmem>>
    %dma_wait3A_13 = arith.constant 0 : i32
    %dma_wait3A_14 = tpu.memref_slice %arg4[%dma_wait3A, %dma_wait3A_13, %mul3A_2] : memref<100x32x16384xf32, #tpu.memory_space<hbm>> -> memref<1x32x512xf32, #tpu.memory_space<hbm>>
    %dma_wait3A_15 = tpu.memref_squeeze %dma_wait3A_14 : memref<1x32x512xf32, #tpu.memory_space<hbm>> -> memref<32x512xf32, #tpu.memory_space<hbm>>
    %dma_wait3A_16 = arith.constant 0 : i32
    %dma_wait3A_17 = tpu.memref_slice %arg4[%dma_wait3A, %dma_wait3A_16, %mul3A_2] : memref<100x32x16384xf32, #tpu.memory_space<hbm>> -> memref<1x32x512xf32, #tpu.memory_space<hbm>>
    %dma_wait3A_18 = tpu.memref_squeeze %dma_wait3A_17 : memref<1x32x512xf32, #tpu.memory_space<hbm>> -> memref<32x512xf32, #tpu.memory_space<hbm>>
    %dma_wait3A_19 = arith.constant 0 : i32
    %dma_wait3A_20 = arith.constant 0 : i32
    %dma_wait3A_21 = tpu.memref_slice %arg9[%dma_wait3A_19, %dma_wait3A_20] : memref<32x513xf32, #tpu.memory_space<vmem>> -> memref<32x512xf32, #tpu.memory_space<vmem>>
    tpu.wait_dma2 semaphore(%arg13 : memref<!tpu.dma_semaphore, #tpu.memory_space<semaphore_mem>>) src(%dma_wait3A_21 : memref<32x512xf32, #tpu.memory_space<vmem>>) dst(%dma_wait3A_18 : memref<32x512xf32, #tpu.memory_space<hbm>>)
    %dma_wait3A_22 = arith.constant 99 : i32
    %dma_wait3A_23 = arith.constant 0 : i32
    %dma_wait3A_24 = arith.constant 0 : i32
    %dma_wait3A_25 = tpu.memref_slice %arg10[%dma_wait3A_23, %dma_wait3A_24] : memref<32x513xf32, #tpu.memory_space<vmem>> -> memref<32x512xf32, #tpu.memory_space<vmem>>
    %dma_wait3A_26 = arith.constant 0 : i32
    %dma_wait3A_27 = tpu.memref_slice %arg4[%dma_wait3A_22, %dma_wait3A_26, %mul3A_2] : memref<100x32x16384xf32, #tpu.memory_space<hbm>> -> memref<1x32x512xf32, #tpu.memory_space<hbm>>
    %dma_wait3A_28 = tpu.memref_squeeze %dma_wait3A_27 : memref<1x32x512xf32, #tpu.memory_space<hbm>> -> memref<32x512xf32, #tpu.memory_space<hbm>>
    %dma_wait3A_29 = arith.constant 0 : i32
    %dma_wait3A_30 = tpu.memref_slice %arg4[%dma_wait3A_22, %dma_wait3A_29, %mul3A_2] : memref<100x32x16384xf32, #tpu.memory_space<hbm>> -> memref<1x32x512xf32, #tpu.memory_space<hbm>>
    %dma_wait3A_31 = tpu.memref_squeeze %dma_wait3A_30 : memref<1x32x512xf32, #tpu.memory_space<hbm>> -> memref<32x512xf32, #tpu.memory_space<hbm>>
    %dma_wait3A_32 = arith.constant 0 : i32
    %dma_wait3A_33 = arith.constant 0 : i32
    %dma_wait3A_34 = tpu.memref_slice %arg10[%dma_wait3A_32, %dma_wait3A_33] : memref<32x513xf32, #tpu.memory_space<vmem>> -> memref<32x512xf32, #tpu.memory_space<vmem>>
    tpu.wait_dma2 semaphore(%arg14 : memref<!tpu.dma_semaphore, #tpu.memory_space<semaphore_mem>>) src(%dma_wait3A_34 : memref<32x512xf32, #tpu.memory_space<vmem>>) dst(%dma_wait3A_31 : memref<32x512xf32, #tpu.memory_space<hbm>>)
    return
  }
}

</mosaic_0001>

<sc_bundles>
// kernel: kernel.3.cloned.1.call-start
scs
__scs_entry_jumppad:
0x0: {  	(pc) =	sbr.rel $0x88, $3  }
0x1: {  	(tag) =	ssettag $0x0;
	lr =	simm.s32 $0x1  }
0x2: {  	[smem:$0x3F9F] =	sst lr;
	_ =	strace $0xD0000000  }
0x3: {  	_ = 	snop  }
0x4: {  	_ = 	snop  }
0x5: {  	_ = 	snop  }
0x6: {  	_ = 	snop  }
0x7: {  	_ = 	snop  }
__scs_overlays_trampoline_lowered:
0x8: {  	[smem:$0x3FAE] =	sst s0  }
0x9: {  	[smem:$0x3FAF] =	sst s1  }
0xa: {  	[smem:$0x3FB0] =	sst s2  }
0xb: {  	[smem:$0x3FB1] =	sst s3  }
0xc: {  	[smem:$0x3FB2] =	sst s4  }
0xd: {  	[smem:$0x3FB3] =	sst s5  }
0xe: {  	[smem:$0x3FB4] =	sst s6  }
0xf: {  	[smem:$0x3FB5] =	sst s7  }
0x10: {  	[smem:$0x3FB6] =	sst s8  }
0x11: {  	[smem:$0x3FB7] =	sst s9;
	s0 =	simm.s32 @!p0 $0x0  }
0x12: {  	s1 =	sld [smem:$0x3F9D];
	s0 =	simm.s32 @p0 $0x1  }
0x13: {  	[smem:$0x3FB8] =	sst s0;
	s0 =	simm.s32 @!p1 $0x0  }
0x14: {  	s2 =	sld [smem:$0x3F9C];
	s0 =	simm.s32 @p1 $0x1  }
0x15: {  	[smem:$0x3FB9] =	sst s0;
	s0 =	simm.s32 @!p2 $0x0  }
0x16: {  	s3 =	sld [smem:$0x3FDB];
	s0 =	simm.s32 @p2 $0x1  }
0x17: {  	s4 =	simm.s32 $0x1BF5;
	[smem:$0x3FBB] =	sst s0  }
0x18: {  	s0 =	sld [smem:$0x3F9E];
	_ =	swait.ge [sflag:s4], $0x0  }
0x19: {  	s7 =	sld [smem:$0x3F9F]  }
0x1a: {  	s8 =	sadd.s32 $0xFFFFE003, lr  }
0x1b: {  	s9 =	sadd.s32 $0xFFFFFEF7, lr;
	s5 =	simm.s32 $0xFFFFFFFF;
	p2 =	slt.u32 s8, $0xFFFFF086  }
0x1c: {  	p1 =	slt.u32 s9, $0xF7A;
	s5 =	simm.s32 @!p2 $0x0  }
0x1d: {  	s5 =	simm.s32 @p1 $0x1;
	p0 =	seq.s32 s7, s2  }
0x1e: {  	s7 =	smul.u32 @!p0 $0xF7A, s2;
	p2 =	seq.s32 @!p0 s5, $0x0  }
0x1f: {  	s9 =	smul.u32 $0xF7A, s1;
	s8 =	simm.s32 @!p0 $0x1BF5;
	p2 =	por !p2, p0  }
0x20: {  	[sflag:s8] =	ssyncset.s32 @!p0 $0xFFFFF086;
	s6 =	sadd.s32 @!p0 s3, s7;
	s7 =	simm.s32 @!p0 $0x108  }
0x21: {  	s3 =	sadd.s32 s3, s9;
	s6 =	sadd.s32 @!p0 $0x88, s6;
	s7 =	simm.s32 @p2 $0x1082  }
0x22: {  	[simem:s7], [sflag:s8] =	dma.local @!p0 [hbm:s6], $0xF7A  }
0x23: {  	s9 =	sor.u32 $0xD0000000, s2;
	s6 =	simm.s32 $0x108;
	_ =	swait.ge @!p0 [sflag:s8], $0x0  }
0x24: {  	s3 =	sadd.s32 $0x88, s3;
	s6 =	simm.s32 @!p1 $0x1082;
	[sflag:s4] =	ssyncset.s32 $0xFFFFF086  }
0x25: {  	[simem:s6], [sflag:s4] =	dma.local [hbm:s3], $0xF7A  }
0x26: {  	[smem:$0x3F9F] =	sst s1;
	(tag) =	ssettag s2;
	_ =	strace s9  }
0x27: {  	s1 =	sld [smem:$0x3FAF]  }
0x28: {  	s2 =	sld [smem:$0x3FB0]  }
0x29: {  	s4 =	sld [smem:$0x3FB2]  }
0x2a: {  	p0 =	seq.s32 s5, $0x0;
	s5 =	sld [smem:$0x3FB3]  }
0x2b: {  	s6 =	sld [smem:$0x3FB4]  }
0x2c: {  	s7 =	sld [smem:$0x3FB5]  }
0x2d: {  	s3 =	simm.s32 $0x108;
	s8 =	sld [smem:$0x3FB6]  }
0x2e: {  	s3 =	simm.s32 @!p0 $0x1082;
	s9 =	sld [smem:$0x3FB7]  }
0x2f: {  	lr =	sadd.s32 s0, s3;
	s0 =	sld [smem:$0x3FAE]  }
0x30: {  	s3 =	sld [smem:$0x3FB1]  }
0x31: {  	[smem:$0x3FBA] =	sst s10  }
0x32: {  	s10 =	sld [smem:$0x3FB8];
	_ =	sdelay $0x3  }
0x33: {  	p0 =	seq.s32 s10, $0x1;
	s10 =	sld [smem:$0x3FBA];
	_ =	sdelay $0x3  }
0x34: {  	[smem:$0x3FBA] =	sst s10  }
0x35: {  	s10 =	sld [smem:$0x3FB9];
	_ =	sdelay $0x3  }
0x36: {  	p1 =	seq.s32 s10, $0x1;
	s10 =	sld [smem:$0x3FBA];
	_ =	sdelay $0x3  }
0x37: {  	[smem:$0x3FBA] =	sst s10  }
0x38: {  	s10 =	sld [smem:$0x3FBB]  }
0x39: {  	_ = 	snop;
	(pc) =	sbr.ind lr, $3  }
0x3a: {  	_ = 	snop  }
0x3b: {  	_ = 	snop  }
0x3c: {  	p2 =	seq.s32 s10, $0x1;
	s10 =	sld [smem:$0x3FBA]  }
0x3d: {  	_ =	shalt  }
0x3e: {  	_ =	shalt  }
0x3f: {  	_ =	shalt  }
0x40: {  	_ =	shalt  }
0x41: {  	_ =	shalt  }
0x42: {  	_ =	shalt  }
0x43: {  	_ =	shalt  }
0x44: {  	_ =	shalt  }
0x45: {  	_ =	shalt  }
0x46: {  	_ =	shalt  }
0x47: {  	_ =	shalt  }
0x48: {  	_ =	shalt  }
0x49: {  	_ =	shalt  }
0x4a: {  	_ =	shalt  }
0x4b: {  	_ =	shalt  }
0x4c: {  	_ =	shalt  }
0x4d: {  	_ =	shalt  }
0x4e: {  	_ =	shalt  }
0x4f: {  	_ =	shalt  }
0x50: {  	_ =	shalt  }
0x51: {  	_ =	shalt  }
0x52: {  	_ =	shalt  }
0x53: {  	_ =	shalt  }
0x54: {  	_ =	shalt  }
0x55: {  	_ =	shalt  }
0x56: {  	_ =	shalt  }
0x57: {  	_ =	shalt  }
0x58: {  	_ =	shalt  }
0x59: {  	_ =	shalt  }
0x5a: {  	_ =	shalt  }
0x5b: {  	_ =	shalt  }
0x5c: {  	_ =	shalt  }
0x5d: {  	_ =	shalt  }
0x5e: {  	_ =	shalt  }
0x5f: {  	_ =	shalt  }
0x60: {  	_ =	shalt  }
0x61: {  	_ =	shalt  }
0x62: {  	_ =	shalt  }
0x63: {  	_ =	shalt  }
0x64: {  	_ =	shalt  }
0x65: {  	_ =	shalt  }
0x66: {  	_ =	shalt  }
0x67: {  	_ =	shalt  }
0x68: {  	_ =	shalt  }
0x69: {  	_ =	shalt  }
0x6a: {  	_ =	shalt  }
0x6b: {  	_ =	shalt  }
0x6c: {  	_ =	shalt  }
0x6d: {  	_ =	shalt  }
0x6e: {  	_ =	shalt  }
0x6f: {  	_ =	shalt  }
0x70: {  	_ =	shalt  }
0x71: {  	_ =	shalt  }
0x72: {  	_ =	shalt  }
0x73: {  	_ =	shalt  }
0x74: {  	_ =	shalt  }
0x75: {  	_ =	shalt  }
0x76: {  	_ =	shalt  }
0x77: {  	_ =	shalt  }
0x78: {  	_ =	shalt  }
0x79: {  	_ =	shalt  }
0x7a: {  	_ =	shalt  }
0x7b: {  	_ =	shalt  }
0x7c: {  	_ =	shalt  }
0x7d: {  	_ =	shalt  }
0x7e: {  	_ =	shalt  }
0x7f: {  	_ =	shalt  }
0x80: {  	_ =	shalt  }
0x81: {  	_ =	shalt  }
0x82: {  	_ =	shalt  }
0x83: {  	_ =	shalt  }
0x84: {  	_ =	shalt  }
0x85: {  	_ =	shalt  }
0x86: {  	_ =	shalt  }
0x87: {  	_ =	shalt  }
.Lfunc_end0:
.L_simem_size_0:
called_computation_lowered:
.L_overlay_start_0:
0x88: {  	s2 =	sld [smem:$0x3FD9]  }
0x89: {  	s3 =	sld [smem:$0x3FFE];
	_ =	sdelay $0x1  }
0x8a: {  	s1 =	srdreg.scid  }
0x8b: {  	s0 =	sand.u32 $0x1, s1  }
0x8c: {  	s17 =	sshll.u32 s0, $0xA;
	s2 =	sadd.s32 s3, s2  }
0x8d: {  	s2 =	sadd.s32 s2, s17  }
0x8e: {  	[smem:$0x3FC6] =	sst s2  }
0x8f: {  	_ = 	snop  }
0x90: {  	s2 =	sld [smem:$0x3FD0];
	(tm) =	ssettm $0x1  }
0x91: {  	s18 =	sld [smem:$0x3FFB];
	_ =	sdelay $0x3  }
0x92: {  	_ =	strace s18  }
0x93: {  	s3 =	sld [smem:$0x3FFC];
	_ =	sdelay $0x3  }
0x94: {  	_ =	strace s3  }
0x95: {  	s3 =	sld [smem:$0x3FFD];
	_ =	sdelay $0x3  }
0x96: {  	_ =	strace s3  }
0x97: {  	_ =	strace $0x8FFFFFFF  }
0x98: {  	s19 =	sld [smem:$0x3FDB];
	_ =	sdelay $0x1  }
0x99: {  	s4 =	simm.s32 $_scs_section_size  }
0x9a: {  	s5 =	simm.s32 $_size__tile_overlayer_lowered;
	s6 =	simm.s32 $_tile_overlayer_lowered  }
0x9b: {  	s22 =	simm.s32 $0x1BFF;
	s21 =	sshll.u32 s6, $0x1;
	s3 =	sadd.s32 s4, s19  }
0x9c: {  	s7 =	simm.s32 $0x0;
	s20 =	sshll.u32 s5, $0x1;
	s5 =	sadd.s32 s21, s3  }
0x9d: {  	[timem:s7], [sflag:s22] =	dma.local [hbm:s5], s20  }
0x9e: {  	_ =	swait.ge [sflag:s22], s20  }
0x9f: {  	s4 =	ssub.s32 $0x0, s20;
	[sflag:s22] =	ssyncset.done $0x0  }
0xa0: {  	[sflag:s22] =	ssyncadd.s32 s4;
	_ =	sdelay $0x1  }
0xa1: {  	s23 =	simm.s32 $0x1B8B  }
0xa2: {  	_ =	swait.ge [sflag:s23], $0x1  }
0xa3: {  	[sflag:s23] =	ssyncset.done $0x0  }
0xa4: {  	s25 =	simm.s32 $0x1B8E;
	s24 =	sld [smem:$0x3FFE];
	[sflag:s23] =	ssyncadd.s32 $0xFFFFFFFF  }
0xa5: {  	s26 =	simm.s32 $execute0_lowered;
	[smem:$0x3FD2] =	sst s25  }
0xa6: {  	s5 =	sshll.u32 s26, $0x1;
	_ =	strace $0x80000046;
	[dreg:$0x1] =	wrdreg $0xFFFFFFFF  }
0xa7: {  	s28 =	simm.s32 $_size_execute0_lowered;
	s3 =	sadd.s32 s3, s5;
	[dreg:$0x0] =	wrdreg $0x0  }
0xa8: {  	s5 =	sshll.u32 s28, $0x1;
	[dreg:$0x2] =	wrdreg s3  }
0xa9: {  	[dreg:$0x3] =	wrdreg s5  }
0xaa: {  	[dreg:$0x4] =	wrdreg $0xC0  }
0xab: {  	_ =	task [dreg:s7], $0x5FFFF  }
0xac: {  	[dreg:$0x1] =	wrdreg $0xFFFFFFFF  }
0xad: {  	[dreg:$0x0] =	wrdreg $0x60  }
0xae: {  	[dreg:$0x2] =	wrdreg s24  }
0xaf: {  	[dreg:$0x3] =	wrdreg s2  }
0xb0: {  	[dreg:$0x4] =	wrdreg $0x9  }
0xb1: {  	_ =	task.clear_ibuf [dreg:s7], $0x5FFFF;
	_ =	strace $0x90000046  }
0xb2: {  	s29 =	simm.s32 $0x9;
	_ =	strace $0x80000048  }
0xb3: {  	_ =	swait.ge [sflag:s29], $0x1  }
0xb4: {  	[sflag:s29] =	ssyncadd.s32 $0xFFFFFFFF  }
0xb5: {  	_ =	strace $0x90000048  }
0xb6: {  	_ =	sfence  }
0xb7: {  	s30 =	sld [smem:$0x0];
	_ =	sdelay $0x2  }
0xb8: {  	s31 =	sshll.u32 s1, $0xD;
	s1 =	sshrl.u32 s1, $0x2  }
0xb9: {  	s3 =	sand.u32 $0x4000, s31;
	s1 =	sadd.s32 s1, s30  }
0xba: {  	s0 =	sor.u32 s3, s0;
	s1 =	sshll.u32 s1, $0x11  }
0xbb: {  	s0 =	sor.u32 s1, s0  }
0xbc: {  	s0 =	sadd.s32 $0x8F2B, s0  }
0xbd: {  	[sflag:s0] =	ssyncadd.remote.s32 $0x1  }
0xbe: {  	_ =	sfence.sel $0xFFFF  }
0xbf: {  	[dreg:$0x0] =	wrdreg $0xFFFFFFFF;
	(pc) =	sbr.abs _section_cstart, $3  }
0xc0: {  	[dreg:$0x1] =	wrdreg $0xFFFFFFFF  }
0xc1: {  	_ =	task.clear_ibuf [dreg:s7], $0x2FFFF;
	_ =	strace $0x9FFFFFFF  }
0xc2: {  	(tm) =	ssettm $0x7FFFFFFF  }
0xc3: {  	_ =	shalt  }
tec
execute0_lowered:
.L_overlay_start_1:
0x0: {  	(tag) =	ssettag $0x1  }
0x1: {  	s6 =	rddreg [dreg:$0x0]  }
0x2: {  	s1 =	rddreg [dreg:$0x1]  }
0x3: {  	s0 =	rddreg [dreg:$0x2];
	s3 =	simm.s32 $0x0;
	s4 =	srdreg.scid  }
0x4: {  	s2 =	stileid.u32;
	s10 =	simm.s32 $0x5;
	s11 =	simm.s32 $0x200  }
0x5: {  	v0 =	vlaneseq.u32;
	s12 =	simm.s32 $0x400;
	s13 =	simm.s32 $0x4400;
	s14 =	simm.s32 $0x1  }
0x6: {  	v1 =	vimm.s32 $0x0;
	vm0 =	vcmask $0x300;
	s15 =	simm.s32 $0x8400;
	s16 =	simm.s32 $0x2;
	s17 =	simm.s32 $0x4;
	v0 =	vmul.u32 $0x208, v0  }
0x7: {  	s18 =	simm.s32 $0xC500;
	s19 =	simm.s32 $0x3;
	s20 =	simm.s32 $0x0;
	v1 =	vsel vm0, $0x3, v1  }
0x8: {  	[smem:$0x7FF] =	sst s3;
	s5 =	sand.u32 $0x1, s4;
	s7 =	sshll.u32 s2, $0xA;
	v2 =	vadd.s32 $0x2080, v0;
	v3 =	vor.u32 $0x1, v0;
	v4 =	vadd.s32 $0x2081, v0  }
0x9: {  	s4 =	sadd.s32 $0x600, s6;
	s8 =	sshll.u32 s5, $0x9;
	s9 =	ssub.s32 $0x2, s5;
	v5 =	vor.u32 $0x2, v0;
	v6 =	vadd.s32 $0x2082, v0;
	v7 =	vor.u32 $0x3, v0  }
0xa: {  	s6 =	sadd.s32 $0x32600, s6;
	s5 =	sor.u32 s8, s7;
	s31 =	sshrl.u32 s9, $0x1;
	v8 =	vadd.s32 $0x2083, v0;
	v9 =	vor.u32 $0x4, v0;
	v10 =	vadd.s32 $0x2084, v0  }
0xb: {  	_ =	strace $0x80000047;
	v11 =	vor.u32 $0x5, v0;
	v12 =	vadd.s32 $0x2085, v0;
	v13 =	vor.u32 $0x6, v0;
	s8 =	sshrl.u32 s5, $0x3;
	s9 =	ssub.s32 s9, s31  }
0xc: {  	v14 =	vadd.s32 $0x2086, v0;
	v15 =	vor.u32 $0x7, v0;
	v16 =	vadd.s32 $0x2087, v0;
	s7 =	sadd.s32 s4, s8;
	s8 =	sor.u32 $0x8000, s5;
	s9 =	smax.u32 s9, $0x1  }
.LBB2_1:
0xd: {  	[tilespmem:s3], [sflag:$0x5] =	stream.linear.gather [hbm4b:s7+s3], $0x200, $0x38;
	[tilespmem:$0x10600] =	vst v63  }
0xe: {  	_ =	swait.ge [sflag:s10], $0x200  }
0xf: {  	[sflag:s10] =	ssyncset.done $0x0  }
0x10: {  	s21 =	simm.s32 $0x0;
	[sflag:s10] =	ssyncadd.s32 $0xFFFFFE00  }
0x11: {  	[tilespmem:s12], [sflag:$0x1] =	stream.indirect.gather [hbm4b:s1+s11], $0x20, s3, s11, $0xb8;
	[tilespmem:$0x10600] =	vst v63  }
.LBB2_2:
0x12: {  	s22 =	sshllo.u32 s21, $0x1  }
0x13: {  	s25 =	simm.s32 $0x0;
	s26 =	simm.s32 $0x1;
	s28 =	simm.s32 $0x2  }
0x14: {  	s24 =	simm.s32 $0x3;
	s29 =	simm.s32 $0x5;
	s23 =	sshll.u32 s22, $0xE  }
0x15: {  	s30 =	simm.s32 $0x6;
	s31 =	simm.s32 $0x7;
	s23 =	sor.u32 s5, s23  }
0x16: {  	v17 =	vmov s25;
	v18 =	vmov s26;
	s25 =	simm.s32 $0x4;
	v19 =	vmov s28;
	s26 =	simm.s32 $0x9;
	s23 =	sshrl.u32 s23, $0x3  }
0x17: {  	v20 =	vmov s24;
	v22 =	vmov s29;
	v23 =	vmov s30;
	s28 =	simm.s32 $0xA;
	s29 =	simm.s32 $0xB;
	s23 =	sadd.s32 s4, s23  }
0x18: {  	v24 =	vmov s31;
	v17 =	vshrl.u32 v17, $0x3;
	v21 =	vmov s25;
	[tilespmem:s11], [sflag:$0x5] =	stream.linear.gather [hbm4b:s23+s3], $0x200, $0x38;
	[tilespmem:$0x10600] =	vst v63  }
0x19: {  	s30 =	simm.s32 $0xC;
	s31 =	simm.s32 $0xD;
	v26 =	vmov s26;
	v27 =	vmov s28;
	v28 =	vmov s29;
	_ =	swait.ge [sflag:s10], $0x200  }
0x1a: {  	v29 =	vmov s30;
	v30 =	vmov s31;
	v18 =	vshrl.u32 v18, $0x3;
	[sflag:s10] =	ssyncset.done $0x0  }
0x1b: {  	s25 =	simm.s32 $0x8;
	s26 =	simm.s32 $0xE;
	v19 =	vshrl.u32 v19, $0x3;
	v20 =	vshrl.u32 v20, $0x3;
	v22 =	vshrl.u32 v22, $0x3;
	[sflag:s10] =	ssyncadd.s32 $0xFFFFFE00  }
0x1c: {  	v23 =	vshrl.u32 v23, $0x3;
	v24 =	vshrl.u32 v24, $0x3;
	v25 =	vmov s25;
	[tilespmem:s13], [sflag:$0x2] =	stream.indirect.gather [hbm4b:s1+s11], $0x20, s11, s11, $0xb8;
	[tilespmem:$0x10600] =	vst v63  }
0x1d: {  	v31 =	vmov s26;
	v17 =	vshll.u32 v17, v1;
	v21 =	vshrl.u32 v21, $0x3;
	_ =	swait.ge [sflag:s14], $0x4000  }
0x1e: {  	p0 =	seq.s32 s21, $0x0;
	s28 =	simm.s32 $0xF;
	v26 =	vshrl.u32 v26, $0x3;
	v27 =	vshrl.u32 v27, $0x3;
	v28 =	vshrl.u32 v28, $0x3;
	[sflag:s14] =	ssyncset.done $0x0  }
0x1f: {  	v29 =	vshrl.u32 v29, $0x3;
	v30 =	vshrl.u32 v30, $0x3;
	v32 =	vmov s28;
	s23 =	simm.s32 @!p0 $0x3;
	[sflag:s14] =	ssyncadd.s32 $0xFFFFC000  }
0x20: {  	v18 =	vshll.u32 v18, v1;
	v19 =	vshll.u32 v19, v1;
	v20 =	vshll.u32 v20, v1;
	_ =	swait.ge @!p0 [sflag:s23], $0x4000  }
0x21: {  	v22 =	vshll.u32 v22, v1;
	v23 =	vshll.u32 v23, v1;
	v24 =	vshll.u32 v24, v1;
	[sflag:s23] =	ssyncset.done @!p0 $0x0  }
0x22: {  	v25 =	vshrl.u32 v25, $0x3;
	v31 =	vshrl.u32 v31, $0x3;
	v32 =	vshrl.u32 v32, $0x3;
	[sflag:s23] =	ssyncadd.s32 @!p0 $0xFFFFC000;
	s23 =	simm.s32 $0x500  }
0x23: {  	v17 =	vbroadcast v17, $0x0;
	v21 =	vshll.u32 v21, v1;
	v32 =	vshll.u32 v32, v1;
	v33 =	vld [tilespmem:s23+$0xE0]  }
0x24: {  	v26 =	vshll.u32 v26, v1;
	v27 =	vshll.u32 v27, v1;
	v32 =	vbroadcast v32, $0x0;
	v34 =	vld [tilespmem:s23+$0xFFFFFF00]  }
0x25: {  	v18 =	vbroadcast v18, $0x0;
	v28 =	vshll.u32 v28, v1;
	v19 =	vbroadcast v19, $0x0;
	v35 =	vld [tilespmem:s23+$0xFFFFFF20]  }
0x26: {  	v29 =	vshll.u32 v29, v1;
	v20 =	vbroadcast v20, $0x0;
	v36 =	vadd.s32 v15, v32;
	v38 =	vld [tilespmem:s23+$0xFFFFFF40]  }
0x27: {  	v30 =	vshll.u32 v30, v1;
	v22 =	vbroadcast v22, $0x0;
	v37 =	vadd.s32 v0, v17;
	v40 =	vld [tilespmem:s23+$0xFFFFFF60]  }
0x28: {  	v23 =	vbroadcast v23, $0x0;
	v24 =	vbroadcast v24, $0x0;
	v39 =	vadd.s32 v3, v18;
	v41 =	vld [tilespmem:s23+$0xFFFFFF80]  }
0x29: {  	v25 =	vshll.u32 v25, v1;
	v42 =	vadd.s32 v5, v19;
	v43 =	vld [tilespmem:s23+$0xFFFFFFA0];
	v33 =	vmul.f32 $1.000000000e+01, v33  }
0x2a: {  	v21 =	vbroadcast v21, $0x0;
	v44 =	vadd.s32 v7, v20;
	v46 =	vld [tilespmem:s23+$0xFFFFFFC0];
	v34 =	vmul.f32 $1.000000000e+01, v34  }
0x2b: {  	v31 =	vshll.u32 v31, v1;
	v59 =	vadd.s32 v11, v22;
	v62 =	vld [tilespmem:s23+$0xFFFFFFE0];
	v35 =	vmul.f32 $1.000000000e+01, v35;
	[tilespmem:v36+s15+$0x0] =	vst.idx.msk $0xffff, v33  }
0x2c: {  	v26 =	vbroadcast v26, $0x0;
	v63 =	vadd.s32 v13, v23;
	v48 =	vld [tilespmem:s23+$0x0];
	v58 =	vmul.f32 $1.000000000e+01, v38;
	[tilespmem:v37+s15+$0x0] =	vst.idx.msk $0xffff, v34  }
0x2d: {  	v25 =	vbroadcast v25, $0x0;
	v45 =	vadd.s32 v9, v21;
	v50 =	vld [tilespmem:s23+$0x20];
	v61 =	vmul.f32 $1.000000000e+01, v40;
	[tilespmem:v39+s15+$0x0] =	vst.idx.msk $0xffff, v35  }
0x2e: {  	v27 =	vbroadcast v27, $0x0;
	v51 =	vadd.s32 v15, v24;
	v53 =	vld [tilespmem:s23+$0x40];
	v49 =	vmul.f32 $1.000000000e+01, v43;
	[tilespmem:v42+s15+$0x0] =	vst.idx.msk $0xffff, v58  }
0x2f: {  	v28 =	vbroadcast v28, $0x0;
	v54 =	vadd.s32 v0, v25;
	v55 =	vld [tilespmem:s23+$0x60];
	v52 =	vmul.f32 $1.000000000e+01, v46;
	[tilespmem:v44+s15+$0x0] =	vst.idx.msk $0xffff, v61  }
0x30: {  	v29 =	vbroadcast v29, $0x0;
	v56 =	vadd.s32 v3, v26;
	v47 =	vmul.f32 $1.000000000e+01, v41;
	[tilespmem:v59+s15+$0x0] =	vst.idx.msk $0xffff, v49;
	v58 =	vld [tilespmem:s23+$0x80]  }
0x31: {  	v30 =	vbroadcast v30, $0x0;
	v57 =	vmul.f32 $1.000000000e+01, v62;
	[tilespmem:v63+s15+$0x0] =	vst.idx.msk $0xffff, v52;
	v59 =	vadd.s32 v5, v27;
	v63 =	vld [tilespmem:s23+$0xC0]  }
0x32: {  	v31 =	vbroadcast v31, $0x0;
	v40 =	vmul.f32 $1.000000000e+01, v48;
	[tilespmem:v45+s15+$0x0] =	vst.idx.msk $0xffff, v47;
	v61 =	vadd.s32 v7, v28;
	v60 =	vld [tilespmem:s23+$0xF0]  }
0x33: {  	v18 =	vadd.s32 v4, v18;
	v62 =	vmul.f32 $1.000000000e+01, v50;
	v48 =	vadd.s32 v9, v29;
	[tilespmem:v51+s15+$0x0] =	vst.idx.msk $0xffff, v57;
	v49 =	vld [tilespmem:s23+$0xFFFFFF30]  }
0x34: {  	v19 =	vadd.s32 v6, v19;
	v32 =	vadd.s32 v16, v32;
	v50 =	vmul.f32 $1.000000000e+01, v53;
	[tilespmem:v54+s15+$0x0] =	vst.idx.msk $0xffff, v40;
	v53 =	vld [tilespmem:s23+$0xFFFFFF50]  }
0x35: {  	v20 =	vadd.s32 v8, v20;
	v22 =	vadd.s32 v12, v22;
	v44 =	vmul.f32 $1.000000000e+01, v55;
	[tilespmem:v56+s15+$0x0] =	vst.idx.msk $0xffff, v62;
	v55 =	vld [tilespmem:s23+$0xFFFFFF70]  }
0x36: {  	v23 =	vadd.s32 v14, v23;
	v24 =	vadd.s32 v16, v24;
	v56 =	vld [tilespmem:s23+$0xFFFFFF90];
	v37 =	vmul.f32 $1.000000000e+01, v58;
	[tilespmem:v59+s15+$0x0] =	vst.idx.msk $0xffff, v50  }
0x37: {  	s26 =	simm.s32 $0x14;
	v21 =	vadd.s32 v10, v21;
	v26 =	vadd.s32 v4, v26;
	[tilespmem:v61+s15+$0x0] =	vst.idx.msk $0xffff, v44;
	v38 =	vmul.f32 $1.000000000e+01, v60;
	v60 =	vld [tilespmem:s23+$0xA0]  }
0x38: {  	v25 =	vadd.s32 v2, v25;
	v41 =	vmov s26;
	v58 =	vld [tilespmem:s23+$0xFFFFFFB0];
	v36 =	vmul.f32 $1.000000000e+01, v49;
	[tilespmem:v48+s15+$0x0] =	vst.idx.msk $0xffff, v37  }
0x39: {  	s29 =	simm.s32 $0x10;
	v29 =	vadd.s32 v10, v29;
	v54 =	vadd.s32 v13, v31;
	v40 =	vmul.f32 $1.000000000e+01, v53;
	[tilespmem:v32+s15+$0x0] =	vst.idx.msk $0xffff, v38  }
0x3a: {  	s30 =	simm.s32 $0x11;
	s31 =	simm.s32 $0x12;
	v51 =	vadd.s32 v11, v30;
	v52 =	vmov s29;
	v59 =	vld [tilespmem:s23+$0xFFFFFFD0];
	v33 =	vmul.f32 $1.000000000e+01, v55;
	[tilespmem:v18+s15+$0x0] =	vst.idx.msk $0xffff, v36  }
0x3b: {  	s25 =	simm.s32 $0x13;
	v35 =	vmov s30;
	v42 =	vmov s31;
	v61 =	vld [tilespmem:s23+$0x10];
	v62 =	vmul.f32 $1.000000000e+01, v56;
	[tilespmem:v19+s15+$0x0] =	vst.idx.msk $0xffff, v40  }
0x3c: {  	v34 =	vmov s25;
	v38 =	vmul.f32 $1.000000000e+01, v63;
	[tilespmem:v20+s15+$0x0] =	vst.idx.msk $0xffff, v33;
	v57 =	vmul.f32 $1.000000000e+01, v60;
	v60 =	vld [tilespmem:s23+$0xFFFFFFF0]  }
0x3d: {  	v27 =	vadd.s32 v6, v27;
	v28 =	vadd.s32 v8, v28;
	v49 =	vld [tilespmem:s23+$0x50];
	[tilespmem:v21+s15+$0x0] =	vst.idx.msk $0xffff, v62;
	v48 =	vmul.f32 $1.000000000e+01, v58  }
0x3e: {  	s29 =	simm.s32 $0x16;
	s30 =	simm.s32 $0x17;
	v30 =	vadd.s32 v12, v30;
	v47 =	vadd.s32 v2, v17;
	v32 =	vshrl.u32 v52, $0x3;
	v63 =	vld [tilespmem:s23+$0x30];
	[tilespmem:v54+s15+$0x0] =	vst.idx.msk $0xffff, v38  }
0x3f: {  	s31 =	simm.s32 $0x18;
	s25 =	simm.s32 $0x19;
	v18 =	vmov s29;
	v19 =	vmov s30;
	v53 =	vld [tilespmem:s23+$0x90];
	v50 =	vmul.f32 $1.000000000e+01, v59;
	[tilespmem:v22+s15+$0x0] =	vst.idx.msk $0xffff, v48  }
0x40: {  	s28 =	simm.s32 $0x15;
	v20 =	vmov s31;
	v21 =	vmov s25;
	v22 =	vmul.f32 $1.000000000e+01, v61;
	[tilespmem:v51+s15+$0x0] =	vst.idx.msk $0xffff, v57;
	v51 =	vld [tilespmem:s23+$0x70]  }
0x41: {  	s26 =	simm.s32 $0x1A;
	s29 =	simm.s32 $0x1C;
	v17 =	vshll.u32 v32, v1;
	v38 =	vmov s28;
	[tilespmem:v23+s15+$0x0] =	vst.idx.msk $0xffff, v50;
	v57 =	vld [tilespmem:s23+$0xD0];
	v52 =	vmul.f32 $1.000000000e+01, v60  }
0x42: {  	s30 =	simm.s32 $0x1D;
	v54 =	vmov s26;
	v58 =	vmov s29;
	v44 =	vmul.f32 $1.000000000e+01, v49;
	v55 =	vld [tilespmem:s23+$0xB0];
	[tilespmem:v25+s15+$0x0] =	vst.idx.msk $0xffff, v22  }
0x43: {  	s28 =	simm.s32 $0x1B;
	v59 =	vmov s30;
	v23 =	vmul.f32 $1.000000000e+01, v63;
	v25 =	vadd.s32 v14, v31;
	[tilespmem:v24+s15+$0x0] =	vst.idx.msk $0xffff, v52;
	v24 =	vld [tilespmem:s23+$0xFFFFFF10]  }
0x44: {  	v56 =	vmov s28;
	[tilespmem:v27+s15+$0x0] =	vst.idx.msk $0xffff, v44;
	v27 =	vshrl.u32 v34, $0x3;
	v31 =	vmul.f32 $1.000000000e+01, v53  }
0x45: {  	s31 =	simm.s32 $0x1E;
	[tilespmem:v26+s15+$0x0] =	vst.idx.msk $0xffff, v23;
	v23 =	vshrl.u32 v35, $0x3;
	v26 =	vshrl.u32 v42, $0x3;
	v22 =	vmul.f32 $1.000000000e+01, v51  }
0x46: {  	v60 =	vmov s31;
	[tilespmem:v29+s15+$0x0] =	vst.idx.msk $0xffff, v31;
	v29 =	vshrl.u32 v38, $0x3;
	v62 =	vmul.f32 $1.000000000e+01, v57  }
0x47: {  	v31 =	vshrl.u32 v19, $0x3;
	v19 =	vshrl.u32 v59, $0x3;
	v61 =	vmul.f32 $1.000000000e+01, v55;
	[tilespmem:v28+s15+$0x0] =	vst.idx.msk $0xffff, v22  }
0x48: {  	v28 =	vshrl.u32 v41, $0x3;
	v22 =	vshrl.u32 v20, $0x3;
	[tilespmem:v25+s15+$0x0] =	vst.idx.msk $0xffff, v62;
	v63 =	vmul.f32 $1.000000000e+01, v24  }
0x49: {  	v25 =	vshrl.u32 v54, $0x3;
	v20 =	vshrl.u32 v58, $0x3;
	[tilespmem:v30+s15+$0x0] =	vst.idx.msk $0xffff, v61;
	v30 =	vshrl.u32 v18, $0x3  }
0x4a: {  	s24 =	simm.s32 $0x20;
	s25 =	simm.s32 $0x1F;
	v18 =	vshrl.u32 v60, $0x3;
	v24 =	vshrl.u32 v21, $0x3;
	v21 =	vshrl.u32 v56, $0x3;
	[tilespmem:v47+s15+$0x0] =	vst.idx.msk $0xffff, v63  }
.LBB2_3:
0x4b: {  	p1 =	slt.u32 s24, $0x1F0;
	v17 =	vbroadcast v17, $0x0;
	v23 =	vshll.u32 v23, v1;
	v32 =	vmov s25  }
0x4c: {  	v26 =	vshll.u32 v26, v1;
	v27 =	vshll.u32 v27, v1;
	v32 =	vshrl.u32 v32, $0x3  }
0x4d: {  	v28 =	vshll.u32 v28, v1;
	v29 =	vshll.u32 v29, v1;
	s23 =	sadd.s32 $0x200, s23;
	v32 =	vshll.u32 v32, v1  }
0x4e: {  	v30 =	vshll.u32 v30, v1;
	v31 =	vshll.u32 v31, v1;
	v33 =	vld [tilespmem:s23+$0xE0];
	v32 =	vbroadcast v32, $0x0  }
0x4f: {  	v22 =	vshll.u32 v22, v1;
	v24 =	vshll.u32 v24, v1;
	v25 =	vshll.u32 v25, v1;
	v34 =	vld [tilespmem:s23+$0xFFFFFF00]  }
0x50: {  	v21 =	vshll.u32 v21, v1;
	v23 =	vbroadcast v23, $0x0;
	v35 =	vld [tilespmem:s23+$0xFFFFFF20];
	v36 =	vadd.s32 v15, v32  }
0x51: {  	v20 =	vshll.u32 v20, v1;
	v26 =	vbroadcast v26, $0x0;
	v37 =	vadd.s32 v0, v17;
	v38 =	vld [tilespmem:s23+$0xFFFFFF40]  }
0x52: {  	v19 =	vshll.u32 v19, v1;
	v27 =	vbroadcast v27, $0x0;
	v39 =	vadd.s32 v3, v23;
	v40 =	vld [tilespmem:s23+$0xFFFFFF60]  }
0x53: {  	v28 =	vbroadcast v28, $0x0;
	v41 =	vadd.s32 v5, v26;
	v42 =	vld [tilespmem:s23+$0xFFFFFF80];
	v33 =	vmul.f32 $1.000000000e+01, v33  }
0x54: {  	v29 =	vbroadcast v29, $0x0;
	v43 =	vadd.s32 v7, v27;
	v34 =	vmul.f32 $1.000000000e+01, v34;
	v44 =	vld [tilespmem:s23+$0xFFFFFFA0]  }
0x55: {  	v30 =	vbroadcast v30, $0x0;
	v45 =	vadd.s32 v9, v28;
	v35 =	vmul.f32 $1.000000000e+01, v35;
	v46 =	vld [tilespmem:s23+$0xFFFFFFC0];
	[tilespmem:v36+s15+$0x0] =	vst.idx.msk $0xffff, v33  }
0x56: {  	v18 =	vshll.u32 v18, v1;
	[tilespmem:v37+s15+$0x0] =	vst.idx.msk $0xffff, v34;
	v33 =	vmul.f32 $1.000000000e+01, v38;
	v34 =	vadd.s32 v11, v29;
	v36 =	vld [tilespmem:s23+$0xF0]  }
0x57: {  	v31 =	vbroadcast v31, $0x0;
	v37 =	vadd.s32 v13, v30;
	[tilespmem:v39+s15+$0x0] =	vst.idx.msk $0xffff, v35;
	v35 =	vmul.f32 $1.000000000e+01, v40;
	v38 =	vld [tilespmem:s23+$0xFFFFFFE0]  }
0x58: {  	v22 =	vbroadcast v22, $0x0;
	v32 =	vadd.s32 v16, v32;
	[tilespmem:v41+s15+$0x0] =	vst.idx.msk $0xffff, v33;
	v33 =	vmul.f32 $1.000000000e+01, v42;
	v39 =	vld [tilespmem:s23+$0x0]  }
0x59: {  	v24 =	vbroadcast v24, $0x0;
	v40 =	vadd.s32 v15, v31;
	[tilespmem:v43+s15+$0x0] =	vst.idx.msk $0xffff, v35;
	v35 =	vmul.f32 $1.000000000e+01, v44;
	v41 =	vld [tilespmem:s23+$0x20]  }
0x5a: {  	v25 =	vbroadcast v25, $0x0;
	v42 =	vadd.s32 v0, v22;
	[tilespmem:v45+s15+$0x0] =	vst.idx.msk $0xffff, v33;
	v33 =	vmul.f32 $1.000000000e+01, v46;
	v43 =	vld [tilespmem:s23+$0x40]  }
0x5b: {  	v21 =	vbroadcast v21, $0x0;
	[tilespmem:v34+s15+$0x0] =	vst.idx.msk $0xffff, v35;
	v34 =	vadd.s32 v3, v24;
	v35 =	vld [tilespmem:s23+$0x60];
	v36 =	vmul.f32 $1.000000000e+01, v36  }
0x5c: {  	v20 =	vbroadcast v20, $0x0;
	[tilespmem:v37+s15+$0x0] =	vst.idx.msk $0xffff, v33;
	v33 =	vmul.f32 $1.000000000e+01, v38;
	v37 =	vadd.s32 v5, v25;
	v38 =	vld [tilespmem:s23+$0x80]  }
0x5d: {  	v19 =	vbroadcast v19, $0x0;
	v44 =	vadd.s32 v7, v21;
	v39 =	vmul.f32 $1.000000000e+01, v39;
	v45 =	vld [tilespmem:s23+$0xA0];
	[tilespmem:v32+s15+$0x0] =	vst.idx.msk $0xffff, v36  }
0x5e: {  	v18 =	vbroadcast v18, $0x0;
	[tilespmem:v40+s15+$0x0] =	vst.idx.msk $0xffff, v33;
	v32 =	vmul.f32 $1.000000000e+01, v41;
	v33 =	vadd.s32 v9, v20;
	v36 =	vld [tilespmem:s23+$0xC0]  }
0x5f: {  	v41 =	vadd.s32 v11, v19;
	v40 =	vld [tilespmem:s23+$0xFFFFFF30];
	[tilespmem:v42+s15+$0x0] =	vst.idx.msk $0xffff, v39;
	v39 =	vmul.f32 $1.000000000e+01, v43  }
0x60: {  	v42 =	vmov s24;
	v43 =	vld [tilespmem:s23+$0xFFFFFF50];
	[tilespmem:v34+s15+$0x0] =	vst.idx.msk $0xffff, v32;
	v32 =	vmul.f32 $1.000000000e+01, v35;
	v34 =	vadd.s32 v13, v18  }
0x61: {  	s25 =	sadd.s32 $0x1, s24;
	v23 =	vadd.s32 v4, v23;
	v35 =	vshrl.u32 v42, $0x3;
	v42 =	vld [tilespmem:s23+$0xFFFFFF70];
	[tilespmem:v37+s15+$0x0] =	vst.idx.msk $0xffff, v39;
	v37 =	vmul.f32 $1.000000000e+01, v38  }
0x62: {  	v26 =	vadd.s32 v6, v26;
	v38 =	vmov s25;
	s25 =	sadd.s32 $0x2, s24;
	v39 =	vld [tilespmem:s23+$0xFFFFFF90];
	[tilespmem:v44+s15+$0x0] =	vst.idx.msk $0xffff, v32;
	v32 =	vmul.f32 $1.000000000e+01, v45  }
0x63: {  	v27 =	vadd.s32 v8, v27;
	v44 =	vmov s25;
	s25 =	sadd.s32 $0x3, s24;
	v45 =	vld [tilespmem:s23+$0xFFFFFFB0];
	[tilespmem:v33+s15+$0x0] =	vst.idx.msk $0xffff, v37;
	v33 =	vmul.f32 $1.000000000e+01, v36  }
0x64: {  	v28 =	vadd.s32 v10, v28;
	v36 =	vmov s25;
	s25 =	sadd.s32 $0x4, s24;
	v37 =	vmul.f32 $1.000000000e+01, v40;
	v40 =	vld [tilespmem:s23+$0xFFFFFFD0];
	[tilespmem:v41+s15+$0x0] =	vst.idx.msk $0xffff, v32  }
0x65: {  	v29 =	vadd.s32 v12, v29;
	v32 =	vmov s25;
	s25 =	sadd.s32 $0x5, s24;
	v41 =	vmul.f32 $1.000000000e+01, v43;
	v43 =	vld [tilespmem:s23+$0xFFFFFFF0];
	[tilespmem:v34+s15+$0x0] =	vst.idx.msk $0xffff, v33  }
0x66: {  	v30 =	vadd.s32 v14, v30;
	v33 =	vmov s25;
	s25 =	sadd.s32 $0x6, s24;
	[tilespmem:v23+s15+$0x0] =	vst.idx.msk $0xffff, v37;
	v23 =	vmul.f32 $1.000000000e+01, v42;
	v34 =	vld [tilespmem:s23+$0x10]  }
0x67: {  	v31 =	vadd.s32 v16, v31;
	v37 =	vmov s25;
	s25 =	sadd.s32 $0x7, s24;
	[tilespmem:v26+s15+$0x0] =	vst.idx.msk $0xffff, v41;
	v26 =	vmul.f32 $1.000000000e+01, v39;
	v39 =	vld [tilespmem:s23+$0x30]  }
0x68: {  	v22 =	vadd.s32 v2, v22;
	v41 =	vmov s25;
	s25 =	sadd.s32 $0x8, s24;
	[tilespmem:v27+s15+$0x0] =	vst.idx.msk $0xffff, v23;
	v23 =	vmul.f32 $1.000000000e+01, v45;
	v27 =	vld [tilespmem:s23+$0x50]  }
0x69: {  	v24 =	vadd.s32 v4, v24;
	v42 =	vmov s25;
	s25 =	sadd.s32 $0x9, s24;
	[tilespmem:v28+s15+$0x0] =	vst.idx.msk $0xffff, v26;
	v26 =	vmul.f32 $1.000000000e+01, v40;
	v28 =	vld [tilespmem:s23+$0x70]  }
0x6a: {  	v25 =	vadd.s32 v6, v25;
	v40 =	vmov s25;
	s25 =	sadd.s32 $0xA, s24;
	[tilespmem:v29+s15+$0x0] =	vst.idx.msk $0xffff, v23;
	v23 =	vmul.f32 $1.000000000e+01, v43;
	v29 =	vld [tilespmem:s23+$0x90]  }
0x6b: {  	v21 =	vadd.s32 v8, v21;
	v43 =	vmov s25;
	s25 =	sadd.s32 $0xB, s24;
	[tilespmem:v30+s15+$0x0] =	vst.idx.msk $0xffff, v26;
	v26 =	vmul.f32 $1.000000000e+01, v34;
	v30 =	vld [tilespmem:s23+$0xB0]  }
0x6c: {  	v20 =	vadd.s32 v10, v20;
	v34 =	vmov s25;
	s25 =	sadd.s32 $0xC, s24;
	[tilespmem:v31+s15+$0x0] =	vst.idx.msk $0xffff, v23;
	v23 =	vmul.f32 $1.000000000e+01, v39;
	v31 =	vld [tilespmem:s23+$0xD0]  }
0x6d: {  	v19 =	vadd.s32 v12, v19;
	v39 =	vmov s25;
	s25 =	sadd.s32 $0xD, s24;
	v45 =	vld [tilespmem:s23+$0xFFFFFF10];
	[tilespmem:v22+s15+$0x0] =	vst.idx.msk $0xffff, v26;
	v22 =	vmul.f32 $1.000000000e+01, v27  }
0x6e: {  	v18 =	vadd.s32 v14, v18;
	v46 =	vmov s25;
	s25 =	sadd.s32 $0xE, s24;
	[tilespmem:v24+s15+$0x0] =	vst.idx.msk $0xffff, v23;
	v24 =	vmul.f32 $1.000000000e+01, v28  }
0x6f: {  	v48 =	vadd.s32 v2, v17;
	v47 =	vmov s25;
	[tilespmem:v25+s15+$0x0] =	vst.idx.msk $0xffff, v22;
	v22 =	vmul.f32 $1.000000000e+01, v29  }
0x70: {  	v17 =	vshll.u32 v35, v1;
	v23 =	vshrl.u32 v38, $0x3;
	[tilespmem:v21+s15+$0x0] =	vst.idx.msk $0xffff, v24;
	v21 =	vmul.f32 $1.000000000e+01, v30  }
.Ltmp0:
0x71: {  	v26 =	vshrl.u32 v44, $0x3;
	v27 =	vshrl.u32 v36, $0x3;
	[tilespmem:v20+s15+$0x0] =	vst.idx.msk $0xffff, v22;
	v20 =	vmul.f32 $1.000000000e+01, v31;
	(pc) =	sbr.rel @p1 .LBB2_3-.Ltmp0, $4  }
0x72: {  	v28 =	vshrl.u32 v32, $0x3;
	v29 =	vshrl.u32 v33, $0x3;
	v32 =	vmul.f32 $1.000000000e+01, v45;
	[tilespmem:v19+s15+$0x0] =	vst.idx.msk $0xffff, v21  }
0x73: {  	v30 =	vshrl.u32 v37, $0x3;
	v31 =	vshrl.u32 v41, $0x3;
	v22 =	vshrl.u32 v42, $0x3;
	[tilespmem:v18+s15+$0x0] =	vst.idx.msk $0xffff, v20  }
0x74: {  	v25 =	vshrl.u32 v43, $0x3;
	v24 =	vshrl.u32 v40, $0x3;
	v21 =	vshrl.u32 v34, $0x3;
	[tilespmem:v48+s15+$0x0] =	vst.idx.msk $0xffff, v32  }
0x75: {  	s25 =	sadd.s32 $0xF, s24;
	s24 =	sadd.s32 $0x10, s24;
	v19 =	vshrl.u32 v46, $0x3;
	v20 =	vshrl.u32 v39, $0x3;
	v18 =	vshrl.u32 v47, $0x3  }
0x76: {  	v17 =	vbroadcast v17, $0x0  }
0x77: {  	v23 =	vshll.u32 v23, v1;
	v32 =	vmov s25;
	v26 =	vshll.u32 v26, v1  }
0x78: {  	v27 =	vshll.u32 v27, v1;
	v28 =	vshll.u32 v28, v1;
	v29 =	vshll.u32 v29, v1  }
0x79: {  	s23 =	sadd.s32 $0x200, s23;
	v30 =	vshll.u32 v30, v1;
	v31 =	vshll.u32 v31, v1;
	v22 =	vshll.u32 v22, v1  }
0x7a: {  	v24 =	vshll.u32 v24, v1;
	v25 =	vshll.u32 v25, v1;
	v21 =	vshll.u32 v21, v1;
	v34 =	vld [tilespmem:s23+$0xFFFFFF00]  }
0x7b: {  	v20 =	vshll.u32 v20, v1;
	v19 =	vshll.u32 v19, v1;
	v35 =	vld [tilespmem:s23+$0xFFFFFF20];
	v23 =	vbroadcast v23, $0x0  }
0x7c: {  	v18 =	vshll.u32 v18, v1;
	v38 =	vld [tilespmem:s23+$0xFFFFFF40];
	v26 =	vbroadcast v26, $0x0;
	v37 =	vadd.s32 v0, v17  }
0x7d: {  	v32 =	vshrl.u32 v32, $0x3;
	v40 =	vld [tilespmem:s23+$0xFFFFFF60];
	v27 =	vbroadcast v27, $0x0;
	v39 =	vadd.s32 v3, v23  }
0x7e: {  	v42 =	vld [tilespmem:s23+$0xFFFFFF80];
	v28 =	vbroadcast v28, $0x0;
	v29 =	vbroadcast v29, $0x0;
	v41 =	vadd.s32 v5, v26  }
0x7f: {  	v44 =	vld [tilespmem:s23+$0xFFFFFFA0];
	v30 =	vbroadcast v30, $0x0;
	v43 =	vadd.s32 v7, v27;
	v34 =	vmul.f32 $1.000000000e+01, v34  }
0x80: {  	v46 =	vld [tilespmem:s23+$0xFFFFFFC0];
	v31 =	vbroadcast v31, $0x0;
	v45 =	vadd.s32 v9, v28;
	v35 =	vmul.f32 $1.000000000e+01, v35  }
0x81: {  	v47 =	vld [tilespmem:s23+$0xFFFFFFE0];
	v32 =	vshll.u32 v32, v1;
	v61 =	vadd.s32 v11, v29;
	v60 =	vmul.f32 $1.000000000e+01, v38;
	[tilespmem:v37+s15+$0x0] =	vst.idx.msk $0xffff, v34  }
0x82: {  	v33 =	vld [tilespmem:s23+$0xE0];
	v32 =	vbroadcast v32, $0x0;
	v63 =	vadd.s32 v13, v30;
	v62 =	vmul.f32 $1.000000000e+01, v40;
	[tilespmem:v39+s15+$0x0] =	vst.idx.msk $0xffff, v35  }
0x83: {  	v49 =	vld [tilespmem:s23+$0x0];
	v22 =	vbroadcast v22, $0x0;
	v51 =	vadd.s32 v15, v31;
	v48 =	vmul.f32 $1.000000000e+01, v42;
	[tilespmem:v41+s15+$0x0] =	vst.idx.msk $0xffff, v60  }
0x84: {  	v52 =	vld [tilespmem:s23+$0x20];
	v24 =	vbroadcast v24, $0x0;
	v36 =	vadd.s32 v15, v32;
	v50 =	vmul.f32 $1.000000000e+01, v44;
	[tilespmem:v43+s15+$0x0] =	vst.idx.msk $0xffff, v62  }
0x85: {  	v55 =	vld [tilespmem:s23+$0x40];
	v25 =	vbroadcast v25, $0x0;
	v54 =	vadd.s32 v0, v22;
	v53 =	vmul.f32 $1.000000000e+01, v46;
	[tilespmem:v45+s15+$0x0] =	vst.idx.msk $0xffff, v48  }
0x86: {  	v57 =	vld [tilespmem:s23+$0x60];
	v21 =	vbroadcast v21, $0x0;
	v56 =	vadd.s32 v3, v24;
	v58 =	vmul.f32 $1.000000000e+01, v47;
	[tilespmem:v61+s15+$0x0] =	vst.idx.msk $0xffff, v50  }
0x87: {  	v18 =	vbroadcast v18, $0x0;
	v59 =	vadd.s32 v5, v25;
	v33 =	vmul.f32 $1.000000000e+01, v33;
	v47 =	vld [tilespmem:s23+$0xC0];
	[tilespmem:v63+s15+$0x0] =	vst.idx.msk $0xffff, v53  }
0x88: {  	v20 =	vbroadcast v20, $0x0;
	v60 =	vld [tilespmem:s23+$0x80];
	v39 =	vmul.f32 $1.000000000e+01, v49;
	v61 =	vadd.s32 v7, v21;
	[tilespmem:v51+s15+$0x0] =	vst.idx.msk $0xffff, v58  }
0x89: {  	v19 =	vbroadcast v19, $0x0;
	v62 =	vld [tilespmem:s23+$0xA0];
	v63 =	vmul.f32 $1.000000000e+01, v52;
	v53 =	vadd.s32 v13, v18;
	[tilespmem:v36+s15+$0x0] =	vst.idx.msk $0xffff, v33  }
0x8a: {  	v46 =	vadd.s32 v9, v20;
	v49 =	vmul.f32 $1.000000000e+01, v55;
	v48 =	vld [tilespmem:s23+$0xFFFFFF30];
	[tilespmem:v54+s15+$0x0] =	vst.idx.msk $0xffff, v39  }
0x8b: {  	v50 =	vadd.s32 v11, v19;
	v52 =	vmul.f32 $1.000000000e+01, v57;
	v51 =	vld [tilespmem:s23+$0xFFFFFF50];
	[tilespmem:v56+s15+$0x0] =	vst.idx.msk $0xffff, v63  }
0x8c: {  	v23 =	vadd.s32 v4, v23;
	v58 =	vld [tilespmem:s23+$0xFFFFFFB0];
	[tilespmem:v59+s15+$0x0] =	vst.idx.msk $0xffff, v49;
	v59 =	vmul.f32 $1.000000000e+01, v47  }
0x8d: {  	v26 =	vadd.s32 v6, v26;
	v54 =	vld [tilespmem:s23+$0xFFFFFF70];
	v55 =	vmul.f32 $1.000000000e+01, v60;
	[tilespmem:v61+s15+$0x0] =	vst.idx.msk $0xffff, v52  }
0x8e: {  	v29 =	vadd.s32 v12, v29;
	v56 =	vld [tilespmem:s23+$0xFFFFFF90];
	v57 =	vmul.f32 $1.000000000e+01, v62;
	[tilespmem:v53+s15+$0x0] =	vst.idx.msk $0xffff, v59  }
0x8f: {  	v27 =	vadd.s32 v8, v27;
	v63 =	vld [tilespmem:s23+$0xFFFFFFF0];
	v60 =	vmul.f32 $1.000000000e+01, v48;
	[tilespmem:v46+s15+$0x0] =	vst.idx.msk $0xffff, v55  }
0x90: {  	v28 =	vadd.s32 v10, v28;
	v36 =	vld [tilespmem:s23+$0xF0];
	v62 =	vmul.f32 $1.000000000e+01, v51;
	[tilespmem:v50+s15+$0x0] =	vst.idx.msk $0xffff, v57  }
0x91: {  	v31 =	vadd.s32 v16, v31;
	v44 =	vld [tilespmem:s23+$0x10];
	v47 =	vmul.f32 $1.000000000e+01, v58;
	[tilespmem:v23+s15+$0x0] =	vst.idx.msk $0xffff, v60  }
0x92: {  	v32 =	vadd.s32 v16, v32;
	v61 =	vld [tilespmem:s23+$0xFFFFFFD0];
	v43 =	vmul.f32 $1.000000000e+01, v54;
	[tilespmem:v26+s15+$0x0] =	vst.idx.msk $0xffff, v62  }
0x93: {  	v22 =	vadd.s32 v2, v22;
	v48 =	vld [tilespmem:s23+$0x50];
	v45 =	vmul.f32 $1.000000000e+01, v56;
	[tilespmem:v29+s15+$0x0] =	vst.idx.msk $0xffff, v47  }
0x94: {  	v30 =	vadd.s32 v14, v30;
	v46 =	vld [tilespmem:s23+$0x30];
	v51 =	vmul.f32 $1.000000000e+01, v63;
	[tilespmem:v27+s15+$0x0] =	vst.idx.msk $0xffff, v43  }
0x95: {  	v25 =	vadd.s32 v6, v25;
	v50 =	vld [tilespmem:s23+$0x70];
	v36 =	vmul.f32 $1.000000000e+01, v36;
	[tilespmem:v28+s15+$0x0] =	vst.idx.msk $0xffff, v45  }
0x96: {  	v24 =	vadd.s32 v4, v24;
	v56 =	vld [tilespmem:s23+$0xD0];
	v53 =	vmul.f32 $1.000000000e+01, v44;
	[tilespmem:v31+s15+$0x0] =	vst.idx.msk $0xffff, v51  }
0x97: {  	v21 =	vadd.s32 v8, v21;
	v57 =	vld [tilespmem:s23+$0xFFFFFF10];
	[tilespmem:v32+s15+$0x0] =	vst.idx.msk $0xffff, v36;
	v49 =	vmul.f32 $1.000000000e+01, v61  }
0x98: {  	v18 =	vadd.s32 v14, v18;
	v52 =	vld [tilespmem:s23+$0x90];
	[tilespmem:v22+s15+$0x0] =	vst.idx.msk $0xffff, v53;
	v58 =	vmul.f32 $1.000000000e+01, v48  }
0x99: {  	v17 =	vadd.s32 v2, v17;
	v54 =	vld [tilespmem:s23+$0xB0];
	[tilespmem:v30+s15+$0x0] =	vst.idx.msk $0xffff, v49;
	v55 =	vmul.f32 $1.000000000e+01, v46  }
0x9a: {  	v20 =	vadd.s32 v10, v20;
	v59 =	vmul.f32 $1.000000000e+01, v50;
	[tilespmem:v25+s15+$0x0] =	vst.idx.msk $0xffff, v58  }
0x9b: {  	v19 =	vadd.s32 v12, v19;
	v62 =	vmul.f32 $1.000000000e+01, v56;
	[tilespmem:v24+s15+$0x0] =	vst.idx.msk $0xffff, v55  }
0x9c: {  	s31 =	sshll.u32 s21, $0x14;
	v63 =	vmul.f32 $1.000000000e+01, v57;
	[tilespmem:v21+s15+$0x0] =	vst.idx.msk $0xffff, v59  }
0x9d: {  	s23 =	sor.u32 s5, s31;
	v60 =	vmul.f32 $1.000000000e+01, v52;
	[tilespmem:v18+s15+$0x0] =	vst.idx.msk $0xffff, v62  }
0x9e: {  	s23 =	sshrl.u32 s23, $0x3;
	v61 =	vmul.f32 $1.000000000e+01, v54;
	[tilespmem:v17+s15+$0x0] =	vst.idx.msk $0xffff, v63  }
0x9f: {  	s24 =	simm.s32 $0x8400;
	s23 =	sadd.s32 s6, s23;
	[tilespmem:v20+s15+$0x0] =	vst.idx.msk $0xffff, v60  }
0xa0: {  	s25 =	simm.s32 $0x800;
	s26 =	simm.s32 $0x8608;
	s28 =	sadd.s32 $0x0, s23;
	[tilespmem:v19+s15+$0x0] =	vst.idx.msk $0xffff, v61  }
.LBB2_5:
0xa1: {  	[hbm4b:s28+s3] =	stream.linear.scatter [tilespmem:s24], [sflag:$0x3], $0x200, $0x38;
	[tilespmem:$0x10600] =	vst v63  }
0xa2: {  	s28 =	smov.u32 s25;
	s24 =	smov.u32 s26;
	p1 =	sne.s32 s25, $0xF800  }
.Ltmp1:
0xa3: {  	s25 =	sadd.s32 $0x800, s25;
	(pc) =	sbr.rel @p1 .LBB2_5-.Ltmp1, $2  }
0xa4: {  	_ =	sdelay $0x2  }
0xa5: {  	s26 =	sadd.s32 $0x208, s26;
	s28 =	sadd.s32 s28, s23  }
0xa6: {  	p1 =	sne.s32 s21, $0x31  }
.Ltmp2:
0xa7: {  	_ = 	snop;
	(pc) =	sbr.rel @p1 .LBB2_8-.Ltmp2, $2  }
0xa8: {  	_ =	sdelay $0x2  }
0xa9: {  	[hbm4b:s28+s3] =	stream.linear.scatter [tilespmem:s24], [sflag:$0x3], $0x200, $0x38;
	[tilespmem:$0x10600] =	vst v63  }
.Ltmp3:
0xaa: {  	(pc) =	sbr.rel .LBB2_9-.Ltmp3, $4  }
0xab: {  	_ = 	snop  }
0xac: {  	_ =	swait.ge [sflag:s16], $0x4000  }
0xad: {  	[sflag:s16] =	ssyncset.done $0x0  }
0xae: {  	[sflag:s16] =	ssyncadd.s32 $0xFFFFC000  }
.LBB2_8:
0xaf: {  	s23 =	sshll.u32 s21, $0xF  }
0xb0: {  	s23 =	sadd.s32 s8, s23  }
0xb1: {  	s23 =	sshrl.u32 s23, $0x3  }
0xb2: {  	s23 =	sadd.s32 s4, s23  }
0xb3: {  	[tilespmem:s3], [sflag:$0x5] =	stream.linear.gather [hbm4b:s23+s3], $0x200, $0x38;
	[tilespmem:$0x10600] =	vst v63  }
0xb4: {  	_ =	swait.ge [sflag:s10], $0x200  }
0xb5: {  	[sflag:s10] =	ssyncset.done $0x0  }
.Ltmp4:
0xb6: {  	[sflag:s10] =	ssyncadd.s32 $0xFFFFFE00;
	(pc) =	sbr.rel @p0 .LBB2_10-.Ltmp4, $4  }
0xb7: {  	[tilespmem:s12], [sflag:$0x1] =	stream.indirect.gather [hbm4b:s1+s11], $0x20, s3, s11, $0xb8;
	[tilespmem:$0x10600] =	vst v63  }
0xb8: {  	_ =	swait.ge [sflag:s16], $0x4000  }
0xb9: {  	[sflag:s16] =	ssyncset.done $0x0  }
0xba: {  	[sflag:s16] =	ssyncadd.s32 $0xFFFFC000  }
.LBB2_9:
0xbb: {  	_ =	swait.ge [sflag:s17], $0x4000  }
0xbc: {  	[sflag:s17] =	ssyncset.done $0x0  }
0xbd: {  	[sflag:s17] =	ssyncadd.s32 $0xFFFFC000  }
.LBB2_10:
0xbe: {  	s23 =	simm.s32 $0x0;
	s26 =	simm.s32 $0x1;
	s28 =	simm.s32 $0x2  }
0xbf: {  	s24 =	simm.s32 $0x3;
	s25 =	simm.s32 $0x4;
	s29 =	simm.s32 $0x5;
	v17 =	vmov s23;
	v18 =	vmov s26;
	v19 =	vmov s28  }
0xc0: {  	s30 =	simm.s32 $0x6;
	s31 =	simm.s32 $0x7;
	v20 =	vmov s24;
	v21 =	vmov s25;
	v22 =	vmov s29  }
0xc1: {  	v23 =	vmov s30;
	v24 =	vmov s31;
	s25 =	simm.s32 $0x8;
	s26 =	simm.s32 $0x9;
	s28 =	simm.s32 $0xA;
	v17 =	vshrl.u32 v17, $0x3  }
0xc2: {  	s29 =	simm.s32 $0xB;
	s30 =	simm.s32 $0xC;
	s31 =	simm.s32 $0xD;
	v25 =	vmov s25;
	v26 =	vmov s26;
	v27 =	vmov s28  }
0xc3: {  	v28 =	vmov s29;
	v29 =	vmov s30;
	v30 =	vmov s31  }
0xc4: {  	v18 =	vshrl.u32 v18, $0x3;
	v19 =	vshrl.u32 v19, $0x3;
	v20 =	vshrl.u32 v20, $0x3  }
0xc5: {  	s26 =	simm.s32 $0xE;
	v21 =	vshrl.u32 v21, $0x3;
	v22 =	vshrl.u32 v22, $0x3;
	v23 =	vshrl.u32 v23, $0x3  }
0xc6: {  	v24 =	vshrl.u32 v24, $0x3;
	v31 =	vmov s26;
	v17 =	vshll.u32 v17, v1  }
0xc7: {  	v25 =	vshrl.u32 v25, $0x3;
	v26 =	vshrl.u32 v26, $0x3;
	v27 =	vshrl.u32 v27, $0x3  }
0xc8: {  	s28 =	simm.s32 $0xF;
	v28 =	vshrl.u32 v28, $0x3;
	v29 =	vshrl.u32 v29, $0x3;
	v30 =	vshrl.u32 v30, $0x3  }
0xc9: {  	v32 =	vmov s28;
	v18 =	vshll.u32 v18, v1;
	v19 =	vshll.u32 v19, v1  }
0xca: {  	v20 =	vshll.u32 v20, v1;
	v21 =	vshll.u32 v21, v1;
	v22 =	vshll.u32 v22, v1  }
0xcb: {  	s23 =	simm.s32 $0x4500;
	v23 =	vshll.u32 v23, v1;
	v24 =	vshll.u32 v24, v1;
	v31 =	vshrl.u32 v31, $0x3  }
0xcc: {  	v33 =	vld [tilespmem:s23+$0xE0];
	v17 =	vbroadcast v17, $0x0;
	v32 =	vshrl.u32 v32, $0x3;
	v25 =	vshll.u32 v25, v1  }
0xcd: {  	v34 =	vld [tilespmem:s23+$0xFFFFFF00];
	v26 =	vshll.u32 v26, v1;
	v27 =	vshll.u32 v27, v1;
	v18 =	vbroadcast v18, $0x0  }
0xce: {  	v35 =	vld [tilespmem:s23+$0xFFFFFF20];
	v28 =	vshll.u32 v28, v1;
	v19 =	vbroadcast v19, $0x0;
	v29 =	vshll.u32 v29, v1  }
0xcf: {  	v38 =	vld [tilespmem:s23+$0xFFFFFF40];
	v20 =	vbroadcast v20, $0x0;
	v30 =	vshll.u32 v30, v1;
	v37 =	vadd.s32 v0, v17  }
0xd0: {  	v40 =	vld [tilespmem:s23+$0xFFFFFF60];
	v21 =	vbroadcast v21, $0x0;
	v22 =	vbroadcast v22, $0x0;
	v39 =	vadd.s32 v3, v18  }
0xd1: {  	v41 =	vld [tilespmem:s23+$0xFFFFFF80];
	v23 =	vbroadcast v23, $0x0;
	v24 =	vbroadcast v24, $0x0;
	v42 =	vadd.s32 v5, v19  }
0xd2: {  	v43 =	vld [tilespmem:s23+$0xFFFFFFA0];
	v32 =	vshll.u32 v32, v1;
	v44 =	vadd.s32 v7, v20;
	v34 =	vmul.f32 $1.000000000e+01, v34  }
0xd3: {  	v46 =	vld [tilespmem:s23+$0xFFFFFFC0];
	v32 =	vbroadcast v32, $0x0;
	v45 =	vadd.s32 v9, v21;
	v35 =	vmul.f32 $1.000000000e+01, v35  }
0xd4: {  	v62 =	vld [tilespmem:s23+$0xFFFFFFE0];
	v31 =	vshll.u32 v31, v1;
	v59 =	vadd.s32 v11, v22;
	v58 =	vmul.f32 $1.000000000e+01, v38;
	[tilespmem:v37+s18+$0x0] =	vst.idx.msk $0xffff, v34  }
0xd5: {  	v48 =	vld [tilespmem:s23+$0x0];
	v25 =	vbroadcast v25, $0x0;
	v61 =	vmul.f32 $1.000000000e+01, v40;
	v36 =	vadd.s32 v15, v32;
	[tilespmem:v39+s18+$0x0] =	vst.idx.msk $0xffff, v35  }
0xd6: {  	v50 =	vld [tilespmem:s23+$0x20];
	v26 =	vbroadcast v26, $0x0;
	v63 =	vadd.s32 v13, v23;
	v47 =	vmul.f32 $1.000000000e+01, v41;
	[tilespmem:v42+s18+$0x0] =	vst.idx.msk $0xffff, v58  }
0xd7: {  	v53 =	vld [tilespmem:s23+$0x40];
	v27 =	vbroadcast v27, $0x0;
	v51 =	vadd.s32 v15, v24;
	v49 =	vmul.f32 $1.000000000e+01, v43;
	[tilespmem:v44+s18+$0x0] =	vst.idx.msk $0xffff, v61  }
0xd8: {  	v55 =	vld [tilespmem:s23+$0x60];
	v28 =	vbroadcast v28, $0x0;
	v33 =	vmul.f32 $1.000000000e+01, v33;
	v54 =	vadd.s32 v0, v25;
	[tilespmem:v45+s18+$0x0] =	vst.idx.msk $0xffff, v47  }
0xd9: {  	v29 =	vbroadcast v29, $0x0;
	v52 =	vmul.f32 $1.000000000e+01, v46;
	v56 =	vadd.s32 v3, v26;
	[tilespmem:v59+s18+$0x0] =	vst.idx.msk $0xffff, v49;
	v58 =	vld [tilespmem:s23+$0x80]  }
0xda: {  	v30 =	vbroadcast v30, $0x0;
	v57 =	vmul.f32 $1.000000000e+01, v62;
	v59 =	vadd.s32 v5, v27;
	v49 =	vld [tilespmem:s23+$0xFFFFFF30];
	[tilespmem:v36+s18+$0x0] =	vst.idx.msk $0xffff, v33  }
0xdb: {  	v18 =	vadd.s32 v4, v18;
	v40 =	vmul.f32 $1.000000000e+01, v48;
	[tilespmem:v63+s18+$0x0] =	vst.idx.msk $0xffff, v52;
	v61 =	vadd.s32 v7, v28;
	v60 =	vld [tilespmem:s23+$0xF0]  }
0xdc: {  	v62 =	vmul.f32 $1.000000000e+01, v50;
	v48 =	vadd.s32 v9, v29;
	v50 =	vmul.f32 $1.000000000e+01, v53;
	[tilespmem:v51+s18+$0x0] =	vst.idx.msk $0xffff, v57;
	v53 =	vld [tilespmem:s23+$0xFFFFFF50]  }
0xdd: {  	v19 =	vadd.s32 v6, v19;
	v20 =	vadd.s32 v8, v20;
	v44 =	vmul.f32 $1.000000000e+01, v55;
	[tilespmem:v54+s18+$0x0] =	vst.idx.msk $0xffff, v40;
	v55 =	vld [tilespmem:s23+$0xFFFFFF70]  }
0xde: {  	v31 =	vbroadcast v31, $0x0;
	v21 =	vadd.s32 v10, v21;
	v22 =	vadd.s32 v12, v22;
	v63 =	vld [tilespmem:s23+$0xC0];
	[tilespmem:v56+s18+$0x0] =	vst.idx.msk $0xffff, v62  }
0xdf: {  	v23 =	vadd.s32 v14, v23;
	v24 =	vadd.s32 v16, v24;
	v56 =	vld [tilespmem:s23+$0xFFFFFF90];
	v37 =	vmul.f32 $1.000000000e+01, v58;
	[tilespmem:v59+s18+$0x0] =	vst.idx.msk $0xffff, v50  }
0xe0: {  	s26 =	simm.s32 $0x14;
	v32 =	vadd.s32 v16, v32;
	[tilespmem:v61+s18+$0x0] =	vst.idx.msk $0xffff, v44;
	v36 =	vmul.f32 $1.000000000e+01, v49;
	v38 =	vmul.f32 $1.000000000e+01, v60;
	v60 =	vld [tilespmem:s23+$0xA0]  }
0xe1: {  	v41 =	vmov s26;
	v25 =	vadd.s32 v2, v25;
	v58 =	vld [tilespmem:s23+$0xFFFFFFB0];
	v40 =	vmul.f32 $1.000000000e+01, v53;
	[tilespmem:v48+s18+$0x0] =	vst.idx.msk $0xffff, v37  }
0xe2: {  	s29 =	simm.s32 $0x10;
	v26 =	vadd.s32 v4, v26;
	v54 =	vadd.s32 v13, v31;
	v33 =	vmul.f32 $1.000000000e+01, v55;
	[tilespmem:v18+s18+$0x0] =	vst.idx.msk $0xffff, v36  }
0xe3: {  	s30 =	simm.s32 $0x11;
	s31 =	simm.s32 $0x12;
	v29 =	vadd.s32 v10, v29;
	v51 =	vadd.s32 v11, v30;
	v52 =	vmov s29;
	v59 =	vld [tilespmem:s23+$0xFFFFFFD0];
	[tilespmem:v19+s18+$0x0] =	vst.idx.msk $0xffff, v40  }
0xe4: {  	s25 =	simm.s32 $0x13;
	v35 =	vmov s30;
	v42 =	vmov s31;
	v61 =	vld [tilespmem:s23+$0x10];
	v62 =	vmul.f32 $1.000000000e+01, v56;
	[tilespmem:v20+s18+$0x0] =	vst.idx.msk $0xffff, v33  }
0xe5: {  	v34 =	vmov s25;
	[tilespmem:v32+s18+$0x0] =	vst.idx.msk $0xffff, v38;
	v38 =	vmul.f32 $1.000000000e+01, v63;
	v57 =	vmul.f32 $1.000000000e+01, v60;
	v60 =	vld [tilespmem:s23+$0xFFFFFFF0]  }
0xe6: {  	s29 =	simm.s32 $0x16;
	v27 =	vadd.s32 v6, v27;
	v28 =	vadd.s32 v8, v28;
	v49 =	vld [tilespmem:s23+$0x50];
	[tilespmem:v21+s18+$0x0] =	vst.idx.msk $0xffff, v62;
	v48 =	vmul.f32 $1.000000000e+01, v58  }
0xe7: {  	s30 =	simm.s32 $0x17;
	s31 =	simm.s32 $0x18;
	v30 =	vadd.s32 v12, v30;
	v47 =	vadd.s32 v2, v17;
	v18 =	vmov s29;
	v53 =	vld [tilespmem:s23+$0x90];
	[tilespmem:v54+s18+$0x0] =	vst.idx.msk $0xffff, v38  }
0xe8: {  	s25 =	simm.s32 $0x19;
	v19 =	vmov s30;
	v20 =	vmov s31;
	v63 =	vld [tilespmem:s23+$0x30];
	v50 =	vmul.f32 $1.000000000e+01, v59;
	[tilespmem:v22+s18+$0x0] =	vst.idx.msk $0xffff, v48  }
0xe9: {  	v21 =	vmov s25;
	s29 =	simm.s32 $0x1C;
	s30 =	simm.s32 $0x1D;
	v32 =	vshrl.u32 v52, $0x3;
	v22 =	vmul.f32 $1.000000000e+01, v61;
	[tilespmem:v51+s18+$0x0] =	vst.idx.msk $0xffff, v57;
	v51 =	vld [tilespmem:s23+$0x70]  }
0xea: {  	s28 =	simm.s32 $0x15;
	v58 =	vmov s29;
	v59 =	vmov s30;
	[tilespmem:v23+s18+$0x0] =	vst.idx.msk $0xffff, v50;
	v57 =	vld [tilespmem:s23+$0xD0];
	v52 =	vmul.f32 $1.000000000e+01, v60  }
0xeb: {  	s26 =	simm.s32 $0x1A;
	v44 =	vmul.f32 $1.000000000e+01, v49;
	v17 =	vshll.u32 v32, v1;
	v38 =	vmov s28;
	[tilespmem:v25+s18+$0x0] =	vst.idx.msk $0xffff, v22;
	v55 =	vld [tilespmem:s23+$0xB0]  }
0xec: {  	v54 =	vmov s26;
	s28 =	simm.s32 $0x1B;
	v25 =	vadd.s32 v14, v31;
	v31 =	vmul.f32 $1.000000000e+01, v53;
	[tilespmem:v24+s18+$0x0] =	vst.idx.msk $0xffff, v52;
	v24 =	vld [tilespmem:s23+$0xFFFFFF10]  }
0xed: {  	v56 =	vmov s28;
	[tilespmem:v27+s18+$0x0] =	vst.idx.msk $0xffff, v44;
	v27 =	vshrl.u32 v34, $0x3;
	v23 =	vmul.f32 $1.000000000e+01, v63  }
0xee: {  	[tilespmem:v29+s18+$0x0] =	vst.idx.msk $0xffff, v31;
	v29 =	vshrl.u32 v38, $0x3;
	v31 =	vshrl.u32 v19, $0x3;
	v22 =	vmul.f32 $1.000000000e+01, v51  }
0xef: {  	s31 =	simm.s32 $0x1E;
	v19 =	vshrl.u32 v59, $0x3;
	[tilespmem:v26+s18+$0x0] =	vst.idx.msk $0xffff, v23;
	v23 =	vshrl.u32 v35, $0x3;
	v62 =	vmul.f32 $1.000000000e+01, v57  }
0xf0: {  	v26 =	vshrl.u32 v42, $0x3;
	v60 =	vmov s31;
	v61 =	vmul.f32 $1.000000000e+01, v55;
	[tilespmem:v28+s18+$0x0] =	vst.idx.msk $0xffff, v22  }
0xf1: {  	v28 =	vshrl.u32 v41, $0x3;
	v22 =	vshrl.u32 v20, $0x3;
	[tilespmem:v25+s18+$0x0] =	vst.idx.msk $0xffff, v62;
	v63 =	vmul.f32 $1.000000000e+01, v24  }
0xf2: {  	v25 =	vshrl.u32 v54, $0x3;
	v20 =	vshrl.u32 v58, $0x3;
	[tilespmem:v30+s18+$0x0] =	vst.idx.msk $0xffff, v61;
	v30 =	vshrl.u32 v18, $0x3  }
0xf3: {  	s24 =	simm.s32 $0x20;
	s25 =	simm.s32 $0x1F;
	v18 =	vshrl.u32 v60, $0x3;
	v24 =	vshrl.u32 v21, $0x3;
	v21 =	vshrl.u32 v56, $0x3;
	[tilespmem:v47+s18+$0x0] =	vst.idx.msk $0xffff, v63  }
.LBB2_11:
0xf4: {  	p0 =	slt.u32 s24, $0x1F0;
	v17 =	vbroadcast v17, $0x0;
	v23 =	vshll.u32 v23, v1;
	v32 =	vmov s25  }
0xf5: {  	v26 =	vshll.u32 v26, v1;
	v27 =	vshll.u32 v27, v1;
	v32 =	vshrl.u32 v32, $0x3  }
0xf6: {  	v28 =	vshll.u32 v28, v1;
	v29 =	vshll.u32 v29, v1;
	s23 =	sadd.s32 $0x200, s23;
	v32 =	vshll.u32 v32, v1  }
0xf7: {  	v30 =	vshll.u32 v30, v1;
	v31 =	vshll.u32 v31, v1;
	v33 =	vld [tilespmem:s23+$0xE0];
	v32 =	vbroadcast v32, $0x0  }
0xf8: {  	v22 =	vshll.u32 v22, v1;
	v24 =	vshll.u32 v24, v1;
	v25 =	vshll.u32 v25, v1;
	v34 =	vld [tilespmem:s23+$0xFFFFFF00]  }
0xf9: {  	v21 =	vshll.u32 v21, v1;
	v23 =	vbroadcast v23, $0x0;
	v35 =	vld [tilespmem:s23+$0xFFFFFF20];
	v36 =	vadd.s32 v15, v32  }
0xfa: {  	v20 =	vshll.u32 v20, v1;
	v26 =	vbroadcast v26, $0x0;
	v37 =	vadd.s32 v0, v17;
	v38 =	vld [tilespmem:s23+$0xFFFFFF40]  }
0xfb: {  	v19 =	vshll.u32 v19, v1;
	v27 =	vbroadcast v27, $0x0;
	v39 =	vadd.s32 v3, v23;
	v40 =	vld [tilespmem:s23+$0xFFFFFF60]  }
0xfc: {  	v28 =	vbroadcast v28, $0x0;
	v41 =	vadd.s32 v5, v26;
	v42 =	vld [tilespmem:s23+$0xFFFFFF80];
	v33 =	vmul.f32 $1.000000000e+01, v33  }
0xfd: {  	v29 =	vbroadcast v29, $0x0;
	v43 =	vadd.s32 v7, v27;
	v34 =	vmul.f32 $1.000000000e+01, v34;
	v44 =	vld [tilespmem:s23+$0xFFFFFFA0]  }
0xfe: {  	v30 =	vbroadcast v30, $0x0;
	v45 =	vadd.s32 v9, v28;
	v35 =	vmul.f32 $1.000000000e+01, v35;
	v46 =	vld [tilespmem:s23+$0xFFFFFFC0];
	[tilespmem:v36+s18+$0x0] =	vst.idx.msk $0xffff, v33  }
0xff: {  	v18 =	vshll.u32 v18, v1;
	[tilespmem:v37+s18+$0x0] =	vst.idx.msk $0xffff, v34;
	v33 =	vmul.f32 $1.000000000e+01, v38;
	v34 =	vadd.s32 v11, v29;
	v36 =	vld [tilespmem:s23+$0xF0]  }
0x100: {  	v31 =	vbroadcast v31, $0x0;
	v37 =	vadd.s32 v13, v30;
	[tilespmem:v39+s18+$0x0] =	vst.idx.msk $0xffff, v35;
	v35 =	vmul.f32 $1.000000000e+01, v40;
	v38 =	vld [tilespmem:s23+$0xFFFFFFE0]  }
0x101: {  	v22 =	vbroadcast v22, $0x0;
	v32 =	vadd.s32 v16, v32;
	[tilespmem:v41+s18+$0x0] =	vst.idx.msk $0xffff, v33;
	v33 =	vmul.f32 $1.000000000e+01, v42;
	v39 =	vld [tilespmem:s23+$0x0]  }
0x102: {  	v24 =	vbroadcast v24, $0x0;
	v40 =	vadd.s32 v15, v31;
	[tilespmem:v43+s18+$0x0] =	vst.idx.msk $0xffff, v35;
	v35 =	vmul.f32 $1.000000000e+01, v44;
	v41 =	vld [tilespmem:s23+$0x20]  }
0x103: {  	v25 =	vbroadcast v25, $0x0;
	v42 =	vadd.s32 v0, v22;
	[tilespmem:v45+s18+$0x0] =	vst.idx.msk $0xffff, v33;
	v33 =	vmul.f32 $1.000000000e+01, v46;
	v43 =	vld [tilespmem:s23+$0x40]  }
0x104: {  	v21 =	vbroadcast v21, $0x0;
	[tilespmem:v34+s18+$0x0] =	vst.idx.msk $0xffff, v35;
	v34 =	vadd.s32 v3, v24;
	v35 =	vld [tilespmem:s23+$0x60];
	v36 =	vmul.f32 $1.000000000e+01, v36  }
0x105: {  	v20 =	vbroadcast v20, $0x0;
	[tilespmem:v37+s18+$0x0] =	vst.idx.msk $0xffff, v33;
	v33 =	vmul.f32 $1.000000000e+01, v38;
	v37 =	vadd.s32 v5, v25;
	v38 =	vld [tilespmem:s23+$0x80]  }
0x106: {  	v19 =	vbroadcast v19, $0x0;
	v44 =	vadd.s32 v7, v21;
	v39 =	vmul.f32 $1.000000000e+01, v39;
	v45 =	vld [tilespmem:s23+$0xA0];
	[tilespmem:v32+s18+$0x0] =	vst.idx.msk $0xffff, v36  }
0x107: {  	v18 =	vbroadcast v18, $0x0;
	[tilespmem:v40+s18+$0x0] =	vst.idx.msk $0xffff, v33;
	v32 =	vmul.f32 $1.000000000e+01, v41;
	v33 =	vadd.s32 v9, v20;
	v36 =	vld [tilespmem:s23+$0xC0]  }
0x108: {  	v41 =	vadd.s32 v11, v19;
	v40 =	vld [tilespmem:s23+$0xFFFFFF30];
	[tilespmem:v42+s18+$0x0] =	vst.idx.msk $0xffff, v39;
	v39 =	vmul.f32 $1.000000000e+01, v43  }
0x109: {  	v42 =	vmov s24;
	v43 =	vld [tilespmem:s23+$0xFFFFFF50];
	[tilespmem:v34+s18+$0x0] =	vst.idx.msk $0xffff, v32;
	v32 =	vmul.f32 $1.000000000e+01, v35;
	v34 =	vadd.s32 v13, v18  }
0x10a: {  	s25 =	sadd.s32 $0x1, s24;
	v23 =	vadd.s32 v4, v23;
	v35 =	vshrl.u32 v42, $0x3;
	v42 =	vld [tilespmem:s23+$0xFFFFFF70];
	[tilespmem:v37+s18+$0x0] =	vst.idx.msk $0xffff, v39;
	v37 =	vmul.f32 $1.000000000e+01, v38  }
0x10b: {  	v26 =	vadd.s32 v6, v26;
	v38 =	vmov s25;
	s25 =	sadd.s32 $0x2, s24;
	v39 =	vld [tilespmem:s23+$0xFFFFFF90];
	[tilespmem:v44+s18+$0x0] =	vst.idx.msk $0xffff, v32;
	v32 =	vmul.f32 $1.000000000e+01, v45  }
0x10c: {  	v27 =	vadd.s32 v8, v27;
	v44 =	vmov s25;
	s25 =	sadd.s32 $0x3, s24;
	v45 =	vld [tilespmem:s23+$0xFFFFFFB0];
	[tilespmem:v33+s18+$0x0] =	vst.idx.msk $0xffff, v37;
	v33 =	vmul.f32 $1.000000000e+01, v36  }
0x10d: {  	v28 =	vadd.s32 v10, v28;
	v36 =	vmov s25;
	s25 =	sadd.s32 $0x4, s24;
	v37 =	vmul.f32 $1.000000000e+01, v40;
	v40 =	vld [tilespmem:s23+$0xFFFFFFD0];
	[tilespmem:v41+s18+$0x0] =	vst.idx.msk $0xffff, v32  }
0x10e: {  	v29 =	vadd.s32 v12, v29;
	v32 =	vmov s25;
	s25 =	sadd.s32 $0x5, s24;
	v41 =	vmul.f32 $1.000000000e+01, v43;
	v43 =	vld [tilespmem:s23+$0xFFFFFFF0];
	[tilespmem:v34+s18+$0x0] =	vst.idx.msk $0xffff, v33  }
0x10f: {  	v30 =	vadd.s32 v14, v30;
	v33 =	vmov s25;
	s25 =	sadd.s32 $0x6, s24;
	[tilespmem:v23+s18+$0x0] =	vst.idx.msk $0xffff, v37;
	v23 =	vmul.f32 $1.000000000e+01, v42;
	v34 =	vld [tilespmem:s23+$0x10]  }
0x110: {  	v31 =	vadd.s32 v16, v31;
	v37 =	vmov s25;
	s25 =	sadd.s32 $0x7, s24;
	[tilespmem:v26+s18+$0x0] =	vst.idx.msk $0xffff, v41;
	v26 =	vmul.f32 $1.000000000e+01, v39;
	v39 =	vld [tilespmem:s23+$0x30]  }
0x111: {  	v22 =	vadd.s32 v2, v22;
	v41 =	vmov s25;
	s25 =	sadd.s32 $0x8, s24;
	[tilespmem:v27+s18+$0x0] =	vst.idx.msk $0xffff, v23;
	v23 =	vmul.f32 $1.000000000e+01, v45;
	v27 =	vld [tilespmem:s23+$0x50]  }
0x112: {  	v24 =	vadd.s32 v4, v24;
	v42 =	vmov s25;
	s25 =	sadd.s32 $0x9, s24;
	[tilespmem:v28+s18+$0x0] =	vst.idx.msk $0xffff, v26;
	v26 =	vmul.f32 $1.000000000e+01, v40;
	v28 =	vld [tilespmem:s23+$0x70]  }
0x113: {  	v25 =	vadd.s32 v6, v25;
	v40 =	vmov s25;
	s25 =	sadd.s32 $0xA, s24;
	[tilespmem:v29+s18+$0x0] =	vst.idx.msk $0xffff, v23;
	v23 =	vmul.f32 $1.000000000e+01, v43;
	v29 =	vld [tilespmem:s23+$0x90]  }
0x114: {  	v21 =	vadd.s32 v8, v21;
	v43 =	vmov s25;
	s25 =	sadd.s32 $0xB, s24;
	[tilespmem:v30+s18+$0x0] =	vst.idx.msk $0xffff, v26;
	v26 =	vmul.f32 $1.000000000e+01, v34;
	v30 =	vld [tilespmem:s23+$0xB0]  }
0x115: {  	v20 =	vadd.s32 v10, v20;
	v34 =	vmov s25;
	s25 =	sadd.s32 $0xC, s24;
	[tilespmem:v31+s18+$0x0] =	vst.idx.msk $0xffff, v23;
	v23 =	vmul.f32 $1.000000000e+01, v39;
	v31 =	vld [tilespmem:s23+$0xD0]  }
0x116: {  	v19 =	vadd.s32 v12, v19;
	v39 =	vmov s25;
	s25 =	sadd.s32 $0xD, s24;
	v45 =	vld [tilespmem:s23+$0xFFFFFF10];
	[tilespmem:v22+s18+$0x0] =	vst.idx.msk $0xffff, v26;
	v22 =	vmul.f32 $1.000000000e+01, v27  }
0x117: {  	v18 =	vadd.s32 v14, v18;
	v46 =	vmov s25;
	s25 =	sadd.s32 $0xE, s24;
	[tilespmem:v24+s18+$0x0] =	vst.idx.msk $0xffff, v23;
	v24 =	vmul.f32 $1.000000000e+01, v28  }
0x118: {  	v48 =	vadd.s32 v2, v17;
	v47 =	vmov s25;
	[tilespmem:v25+s18+$0x0] =	vst.idx.msk $0xffff, v22;
	v22 =	vmul.f32 $1.000000000e+01, v29  }
0x119: {  	v17 =	vshll.u32 v35, v1;
	v23 =	vshrl.u32 v38, $0x3;
	[tilespmem:v21+s18+$0x0] =	vst.idx.msk $0xffff, v24;
	v21 =	vmul.f32 $1.000000000e+01, v30  }
.Ltmp5:
0x11a: {  	v26 =	vshrl.u32 v44, $0x3;
	v27 =	vshrl.u32 v36, $0x3;
	[tilespmem:v20+s18+$0x0] =	vst.idx.msk $0xffff, v22;
	v20 =	vmul.f32 $1.000000000e+01, v31;
	(pc) =	sbr.rel @p0 .LBB2_11-.Ltmp5, $4  }
0x11b: {  	v28 =	vshrl.u32 v32, $0x3;
	v29 =	vshrl.u32 v33, $0x3;
	v32 =	vmul.f32 $1.000000000e+01, v45;
	[tilespmem:v19+s18+$0x0] =	vst.idx.msk $0xffff, v21  }
0x11c: {  	v30 =	vshrl.u32 v37, $0x3;
	v31 =	vshrl.u32 v41, $0x3;
	v22 =	vshrl.u32 v42, $0x3;
	[tilespmem:v18+s18+$0x0] =	vst.idx.msk $0xffff, v20  }
0x11d: {  	v25 =	vshrl.u32 v43, $0x3;
	v24 =	vshrl.u32 v40, $0x3;
	v21 =	vshrl.u32 v34, $0x3;
	[tilespmem:v48+s18+$0x0] =	vst.idx.msk $0xffff, v32  }
0x11e: {  	s25 =	sadd.s32 $0xF, s24;
	s24 =	sadd.s32 $0x10, s24;
	v19 =	vshrl.u32 v46, $0x3;
	v20 =	vshrl.u32 v39, $0x3;
	v18 =	vshrl.u32 v47, $0x3  }
0x11f: {  	v17 =	vbroadcast v17, $0x0  }
0x120: {  	v23 =	vshll.u32 v23, v1;
	v32 =	vmov s25;
	v26 =	vshll.u32 v26, v1  }
0x121: {  	v27 =	vshll.u32 v27, v1;
	v28 =	vshll.u32 v28, v1;
	v29 =	vshll.u32 v29, v1  }
0x122: {  	s23 =	sadd.s32 $0x200, s23;
	v30 =	vshll.u32 v30, v1;
	v31 =	vshll.u32 v31, v1;
	v22 =	vshll.u32 v22, v1  }
0x123: {  	v24 =	vshll.u32 v24, v1;
	v25 =	vshll.u32 v25, v1;
	v21 =	vshll.u32 v21, v1;
	v34 =	vld [tilespmem:s23+$0xFFFFFF00]  }
0x124: {  	v20 =	vshll.u32 v20, v1;
	v19 =	vshll.u32 v19, v1;
	v35 =	vld [tilespmem:s23+$0xFFFFFF20];
	v23 =	vbroadcast v23, $0x0  }
0x125: {  	v18 =	vshll.u32 v18, v1;
	v38 =	vld [tilespmem:s23+$0xFFFFFF40];
	v26 =	vbroadcast v26, $0x0;
	v37 =	vadd.s32 v0, v17  }
0x126: {  	v32 =	vshrl.u32 v32, $0x3;
	v40 =	vld [tilespmem:s23+$0xFFFFFF60];
	v27 =	vbroadcast v27, $0x0;
	v39 =	vadd.s32 v3, v23  }
0x127: {  	v42 =	vld [tilespmem:s23+$0xFFFFFF80];
	v28 =	vbroadcast v28, $0x0;
	v29 =	vbroadcast v29, $0x0;
	v41 =	vadd.s32 v5, v26  }
0x128: {  	v44 =	vld [tilespmem:s23+$0xFFFFFFA0];
	v30 =	vbroadcast v30, $0x0;
	v43 =	vadd.s32 v7, v27;
	v34 =	vmul.f32 $1.000000000e+01, v34  }
0x129: {  	v46 =	vld [tilespmem:s23+$0xFFFFFFC0];
	v31 =	vbroadcast v31, $0x0;
	v45 =	vadd.s32 v9, v28;
	v35 =	vmul.f32 $1.000000000e+01, v35  }
0x12a: {  	v47 =	vld [tilespmem:s23+$0xFFFFFFE0];
	v32 =	vshll.u32 v32, v1;
	v61 =	vadd.s32 v11, v29;
	v60 =	vmul.f32 $1.000000000e+01, v38;
	[tilespmem:v37+s18+$0x0] =	vst.idx.msk $0xffff, v34  }
0x12b: {  	v33 =	vld [tilespmem:s23+$0xE0];
	v32 =	vbroadcast v32, $0x0;
	v63 =	vadd.s32 v13, v30;
	v62 =	vmul.f32 $1.000000000e+01, v40;
	[tilespmem:v39+s18+$0x0] =	vst.idx.msk $0xffff, v35  }
0x12c: {  	v49 =	vld [tilespmem:s23+$0x0];
	v22 =	vbroadcast v22, $0x0;
	v51 =	vadd.s32 v15, v31;
	v48 =	vmul.f32 $1.000000000e+01, v42;
	[tilespmem:v41+s18+$0x0] =	vst.idx.msk $0xffff, v60  }
0x12d: {  	v52 =	vld [tilespmem:s23+$0x20];
	v24 =	vbroadcast v24, $0x0;
	v36 =	vadd.s32 v15, v32;
	v50 =	vmul.f32 $1.000000000e+01, v44;
	[tilespmem:v43+s18+$0x0] =	vst.idx.msk $0xffff, v62  }
0x12e: {  	v55 =	vld [tilespmem:s23+$0x40];
	v25 =	vbroadcast v25, $0x0;
	v54 =	vadd.s32 v0, v22;
	v53 =	vmul.f32 $1.000000000e+01, v46;
	[tilespmem:v45+s18+$0x0] =	vst.idx.msk $0xffff, v48  }
0x12f: {  	v57 =	vld [tilespmem:s23+$0x60];
	v21 =	vbroadcast v21, $0x0;
	v56 =	vadd.s32 v3, v24;
	v58 =	vmul.f32 $1.000000000e+01, v47;
	[tilespmem:v61+s18+$0x0] =	vst.idx.msk $0xffff, v50  }
0x130: {  	v18 =	vbroadcast v18, $0x0;
	v59 =	vadd.s32 v5, v25;
	v33 =	vmul.f32 $1.000000000e+01, v33;
	v47 =	vld [tilespmem:s23+$0xC0];
	[tilespmem:v63+s18+$0x0] =	vst.idx.msk $0xffff, v53  }
0x131: {  	v20 =	vbroadcast v20, $0x0;
	v60 =	vld [tilespmem:s23+$0x80];
	v39 =	vmul.f32 $1.000000000e+01, v49;
	v61 =	vadd.s32 v7, v21;
	[tilespmem:v51+s18+$0x0] =	vst.idx.msk $0xffff, v58  }
0x132: {  	v19 =	vbroadcast v19, $0x0;
	v62 =	vld [tilespmem:s23+$0xA0];
	v63 =	vmul.f32 $1.000000000e+01, v52;
	v53 =	vadd.s32 v13, v18;
	[tilespmem:v36+s18+$0x0] =	vst.idx.msk $0xffff, v33  }
0x133: {  	v46 =	vadd.s32 v9, v20;
	v49 =	vmul.f32 $1.000000000e+01, v55;
	v48 =	vld [tilespmem:s23+$0xFFFFFF30];
	[tilespmem:v54+s18+$0x0] =	vst.idx.msk $0xffff, v39  }
0x134: {  	v50 =	vadd.s32 v11, v19;
	v52 =	vmul.f32 $1.000000000e+01, v57;
	v51 =	vld [tilespmem:s23+$0xFFFFFF50];
	[tilespmem:v56+s18+$0x0] =	vst.idx.msk $0xffff, v63  }
0x135: {  	v23 =	vadd.s32 v4, v23;
	v58 =	vld [tilespmem:s23+$0xFFFFFFB0];
	[tilespmem:v59+s18+$0x0] =	vst.idx.msk $0xffff, v49;
	v59 =	vmul.f32 $1.000000000e+01, v47  }
0x136: {  	v26 =	vadd.s32 v6, v26;
	v54 =	vld [tilespmem:s23+$0xFFFFFF70];
	v55 =	vmul.f32 $1.000000000e+01, v60;
	[tilespmem:v61+s18+$0x0] =	vst.idx.msk $0xffff, v52  }
0x137: {  	v29 =	vadd.s32 v12, v29;
	v56 =	vld [tilespmem:s23+$0xFFFFFF90];
	v57 =	vmul.f32 $1.000000000e+01, v62;
	[tilespmem:v53+s18+$0x0] =	vst.idx.msk $0xffff, v59  }
0x138: {  	v27 =	vadd.s32 v8, v27;
	v63 =	vld [tilespmem:s23+$0xFFFFFFF0];
	v60 =	vmul.f32 $1.000000000e+01, v48;
	[tilespmem:v46+s18+$0x0] =	vst.idx.msk $0xffff, v55  }
0x139: {  	v28 =	vadd.s32 v10, v28;
	v36 =	vld [tilespmem:s23+$0xF0];
	v62 =	vmul.f32 $1.000000000e+01, v51;
	[tilespmem:v50+s18+$0x0] =	vst.idx.msk $0xffff, v57  }
0x13a: {  	v31 =	vadd.s32 v16, v31;
	v44 =	vld [tilespmem:s23+$0x10];
	v47 =	vmul.f32 $1.000000000e+01, v58;
	[tilespmem:v23+s18+$0x0] =	vst.idx.msk $0xffff, v60  }
0x13b: {  	v32 =	vadd.s32 v16, v32;
	v61 =	vld [tilespmem:s23+$0xFFFFFFD0];
	v43 =	vmul.f32 $1.000000000e+01, v54;
	[tilespmem:v26+s18+$0x0] =	vst.idx.msk $0xffff, v62  }
0x13c: {  	v22 =	vadd.s32 v2, v22;
	v48 =	vld [tilespmem:s23+$0x50];
	v45 =	vmul.f32 $1.000000000e+01, v56;
	[tilespmem:v29+s18+$0x0] =	vst.idx.msk $0xffff, v47  }
0x13d: {  	v30 =	vadd.s32 v14, v30;
	v46 =	vld [tilespmem:s23+$0x30];
	v51 =	vmul.f32 $1.000000000e+01, v63;
	[tilespmem:v27+s18+$0x0] =	vst.idx.msk $0xffff, v43  }
0x13e: {  	v25 =	vadd.s32 v6, v25;
	v50 =	vld [tilespmem:s23+$0x70];
	v36 =	vmul.f32 $1.000000000e+01, v36;
	[tilespmem:v28+s18+$0x0] =	vst.idx.msk $0xffff, v45  }
0x13f: {  	v24 =	vadd.s32 v4, v24;
	v56 =	vld [tilespmem:s23+$0xD0];
	v53 =	vmul.f32 $1.000000000e+01, v44;
	[tilespmem:v31+s18+$0x0] =	vst.idx.msk $0xffff, v51  }
0x140: {  	v21 =	vadd.s32 v8, v21;
	v57 =	vld [tilespmem:s23+$0xFFFFFF10];
	[tilespmem:v32+s18+$0x0] =	vst.idx.msk $0xffff, v36;
	v49 =	vmul.f32 $1.000000000e+01, v61  }
0x141: {  	v18 =	vadd.s32 v14, v18;
	v52 =	vld [tilespmem:s23+$0x90];
	[tilespmem:v22+s18+$0x0] =	vst.idx.msk $0xffff, v53;
	v58 =	vmul.f32 $1.000000000e+01, v48  }
0x142: {  	v17 =	vadd.s32 v2, v17;
	v54 =	vld [tilespmem:s23+$0xB0];
	[tilespmem:v30+s18+$0x0] =	vst.idx.msk $0xffff, v49;
	v55 =	vmul.f32 $1.000000000e+01, v46  }
0x143: {  	v20 =	vadd.s32 v10, v20;
	v59 =	vmul.f32 $1.000000000e+01, v50;
	[tilespmem:v25+s18+$0x0] =	vst.idx.msk $0xffff, v58  }
0x144: {  	v19 =	vadd.s32 v12, v19;
	v62 =	vmul.f32 $1.000000000e+01, v56;
	[tilespmem:v24+s18+$0x0] =	vst.idx.msk $0xffff, v55  }
0x145: {  	s22 =	sshll.u32 s22, $0x13;
	v63 =	vmul.f32 $1.000000000e+01, v57;
	[tilespmem:v21+s18+$0x0] =	vst.idx.msk $0xffff, v59  }
0x146: {  	s22 =	sor.u32 s5, s22;
	v60 =	vmul.f32 $1.000000000e+01, v52;
	[tilespmem:v18+s18+$0x0] =	vst.idx.msk $0xffff, v62  }
0x147: {  	s22 =	sshrl.u32 s22, $0x3;
	v61 =	vmul.f32 $1.000000000e+01, v54;
	[tilespmem:v17+s18+$0x0] =	vst.idx.msk $0xffff, v63  }
0x148: {  	s24 =	simm.s32 $0x800;
	s22 =	sadd.s32 s6, s22;
	[tilespmem:v20+s18+$0x0] =	vst.idx.msk $0xffff, v60  }
0x149: {  	s25 =	simm.s32 $0xC708;
	s26 =	sadd.s32 $0x0, s22;
	s23 =	simm.s32 $0xC500;
	[tilespmem:v19+s18+$0x0] =	vst.idx.msk $0xffff, v61  }
.LBB2_13:
0x14a: {  	[hbm4b:s26+s3] =	stream.linear.scatter [tilespmem:s23], [sflag:$0x4], $0x200, $0x38;
	[tilespmem:$0x10600] =	vst v63  }
0x14b: {  	s26 =	smov.u32 s24;
	s23 =	smov.u32 s25;
	p0 =	sne.s32 s24, $0xF800  }
.Ltmp6:
0x14c: {  	s24 =	sadd.s32 $0x800, s24;
	(pc) =	sbr.rel @p0 .LBB2_13-.Ltmp6, $2  }
0x14d: {  	_ =	sdelay $0x2  }
0x14e: {  	s25 =	sadd.s32 $0x208, s25;
	s26 =	sadd.s32 s26, s22  }
0x14f: {  	s21 =	sadd.s32 $0x1, s21  }
0x150: {  	p0 =	sne.s32 s21, $0x32  }
.Ltmp7:
0x151: {  	_ = 	snop;
	(pc) =	sbr.rel @p0 .LBB2_2-.Ltmp7, $2  }
0x152: {  	_ =	sdelay $0x2  }
0x153: {  	[hbm4b:s26+s3] =	stream.linear.scatter [tilespmem:s23], [sflag:$0x4], $0x200, $0x38;
	[tilespmem:$0x10600] =	vst v63  }
0x154: {  	s20 =	sadd.s32 $0x1, s20  }
0x155: {  	_ =	swait.ge [sflag:s19], $0x4000;
	p0 =	sne.s32 s20, s9  }
.Ltmp8:
0x156: {  	[sflag:s19] =	ssyncset.done $0x0;
	(pc) =	sbr.rel @p0 .LBB2_1-.Ltmp8, $4  }
0x157: {  	[sflag:s19] =	ssyncadd.s32 $0xFFFFC000  }
0x158: {  	_ =	swait.ge [sflag:s17], $0x4000  }
0x159: {  	[sflag:s17] =	ssyncset.done $0x0  }
0x15a: {  	[sflag:s17] =	ssyncadd.s32 $0xFFFFC000  }
0x15b: {  	_ =	sfence.sel $0x180000  }
0x15c: {  	[bflag:$0x0] =	sbarrier.arrive $0xFFFF  }
0x15d: {  	p0 =	sne.s32 s2, $0x0;
	_ =	strace $0x90000047  }
0x15e: {  	s0 =	sadd.s32 @!p0 $0x100000, s0;
	[bflag:$0x2] =	sbarrier.arrive $0xFFFF  }
0x15f: {  	[sflag:s0] =	ssyncadd.tile.s32 @!p0 $0x1;
	_ =	shalt  }
.Lfunc_end2:
_tile_overlayer_lowered:
.L_overlay_start_2:
0x160: {  	(tag) =	ssettag $0x2  }
0x161: {  	s0 =	rddreg [dreg:$0x0];
	s2 =	stileid.u32  }
0x162: {  	s1 =	rddreg [dreg:$0x1];
	p0 =	sne.s32 s2, $0x0  }
0x163: {  	s3 =	rddreg [dreg:$0x2];
	[bflag:$0x3] =	sbarrier.arrive $0xFFFF;
	s2 =	simm.s32 @!p0 $0x1C05  }
0x164: {  	[timem:s3], [sflag:s2] =	dma.local @!p0 [hbm:s0], s1  }
0x165: {  	s0 =	simm.s32 @!p0 $0x5  }
0x166: {  	_ =	swait.ge @!p0 [sflag:s0], s1  }
0x167: {  	s1 =	ssub.s32 @!p0 $0x0, s1;
	[sflag:s0] =	ssyncset.done @!p0 $0x0  }
0x168: {  	[sflag:s0] =	ssyncadd.s32 @!p0 s1  }
0x169: {  	[bflag:$0x3] =	sbarrier.arrive $0xFFFF  }
0x16a: {  	_ =	shalt  }

</sc_bundles>
